<compile_context>
chip_gen: v7x
topology: tpu7x:2x2x1
jax: 0.10.2.dev20260603
libtpu: 0.0.44.dev20260713+nightly
codegen_flags: <defaults>
</compile_context>

<pallas_src>
import jax
import jax.numpy as jnp
from jax import lax
from jax.experimental import pallas as pl
from jax.experimental.pallas import tpu as pltpu
from jax.experimental.pallas import tpu_sc as plsc

_N = 10000
_E = 320000
_F = 128
_H = 512
_G = 64
_C = 40

_NC = 2
_NS = 16
_NW = _NC * _NS
_L = 16

_K = 128
_NCH = 157
_EPC = _NCH * _K
_EP = _EPC * _NS
_NP = 10240
_ZR = 80
_RPC = _NP // _ZR // _NS


def _sc_body(xt_hbm, srct_hbm, dst_hbm, zero_hbm, agg_out,
             srcbuf, dstbuf, rows, zrow, agg_sh, gsem):
    cid = lax.axis_index("c")
    sid = lax.axis_index("s")

    pltpu.sync_copy(zero_hbm, zrow)

    def zero_region(k, carry):
        ro = pl.multiple_of((sid * _RPC + k) * _ZR, 8)
        pltpu.sync_copy(zrow, agg_sh.at[pl.ds(ro, _ZR)])
        return carry

    lax.fori_loop(0, _RPC, zero_region, 0)
    plsc.subcore_barrier()

    def chunk(c, carry):
        base = pl.multiple_of(sid * _EPC + c * _K, 128)
        pltpu.sync_copy(srct_hbm.at[cid].at[pl.ds(base, _K)], srcbuf)
        pltpu.sync_copy(dst_hbm.at[pl.ds(base, _K)], dstbuf)
        pltpu.async_copy(xt_hbm.at[srcbuf], rows, gsem).wait()
        pltpu.sync_copy(rows, agg_sh.at[dstbuf], add=True)
        return carry

    lax.fori_loop(0, _NCH, chunk, 0)
    plsc.subcore_barrier()

    def out_region(k, carry):
        ro = pl.multiple_of((sid * _RPC + k) * _ZR, 8)
        pltpu.sync_copy(agg_sh.at[pl.ds(ro, _ZR)],
                        agg_out.at[cid].at[pl.ds(ro, _ZR)])
        return carry

    lax.fori_loop(0, _RPC, out_region, 0)


def _build_sc_aggregate():
    mesh = plsc.VectorSubcoreMesh(
        core_axis_name="c", subcore_axis_name="s",
        num_cores=_NC, num_subcores=_NS)
    return pl.kernel(
        _sc_body,
        out_type=jax.ShapeDtypeStruct((_NC, _NP, _F), jnp.float32),
        mesh=mesh,
        scratch_types=[
            pltpu.VMEM((_K,), jnp.int32),
            pltpu.VMEM((_K,), jnp.int32),
            pltpu.VMEM((_K, _F), jnp.float32),
            pltpu.VMEM((_ZR, _F), jnp.float32),
            pltpu.VMEM_SHARED((_NP, _F), jnp.float32),
            pltpu.SemaphoreType.DMA,
        ],
    )


def _sc_aggregate(x, src, dst):
    xt = jnp.concatenate(
        [x, jnp.ones_like(x), jnp.zeros((8, _F), jnp.float32)], axis=0)
    pad = jnp.full((_EP - _E,), 2 * _N, jnp.int32)
    srct = jnp.stack([jnp.concatenate([src, pad]),
                      jnp.concatenate([src + _N, pad])])
    dstp = jnp.concatenate([dst, jnp.full((_EP - _E,), _N, jnp.int32)])
    zero_blk = jnp.zeros((_ZR, _F), jnp.float32)
    return _build_sc_aggregate()(xt, srct, dstp, zero_blk)


_BR = 400
_NB = _N // _BR


def _tc_ab_body(a0, d0, x, wl, wr, bl, b_in, g1, be1,
                gmax, gsum, gcnt, h_scr, s1, s2):
    i = pl.program_id(0)

    @pl.when(i < _NB)
    def _():
        d = jnp.maximum(d0[...], 1.0)
        mean = a0[...] / d
        h = (jnp.dot(mean, wl[...], preferred_element_type=jnp.float32)
             + jnp.dot(x[...], wr[...], preferred_element_type=jnp.float32)
             + bl[...])
        h_scr[pl.ds(i * _BR, _BR), :] = h

        @pl.when(i == 0)
        def _():
            s1[...] = jnp.zeros_like(s1)
            s2[...] = jnp.zeros_like(s2)

        s1[...] += jnp.sum(h, axis=0, keepdims=True)
        s2[...] += jnp.sum(h * h, axis=0, keepdims=True)

    @pl.when(i >= _NB)
    def _():
        j = i - _NB
        mu = s1[...] * (1.0 / _N)
        var = s2[...] * (1.0 / _N) - mu * mu
        rstd = lax.rsqrt(var + 1e-5)
        h = h_scr[pl.ds(j * _BR, _BR), :]
        h = (h - mu) * rstd * g1[...] + be1[...]
        h = jnp.maximum(h, 0.0)

        bcol = b_in[...]
        iota_g = lax.broadcasted_iota(jnp.int32, (1, _G), 1)
        oh = (bcol == iota_g).astype(jnp.float32)

        @pl.when(j == 0)
        def _():
            gmax[...] = jnp.full_like(gmax, -1e30)
            gsum[...] = jnp.zeros_like(gsum)
            gcnt[...] = jnp.zeros_like(gcnt)

        gsum[...] += lax.dot_general(oh, h, (((0,), (0,)), ((), ())),
                                     preferred_element_type=jnp.float32)
        ones_col = jnp.ones((_BR, 1), jnp.float32)
        gcnt[...] += lax.dot_general(oh, ones_col, (((0,), (0,)), ((), ())),
                                     preferred_element_type=jnp.float32)

        glo = jnp.min(bcol)
        ghi = jnp.max(bcol)
        row_ids = lax.broadcasted_iota(jnp.int32, (_G, 1), 0)
        acc = gmax[...]

        def mbody(g, acc):
            m = jnp.max(jnp.where(bcol == g, h, -1e30), axis=0, keepdims=True)
            return jnp.where(row_ids == g, jnp.maximum(acc, m), acc)

        gmax[...] = lax.fori_loop(glo, ghi + 1, mbody, acc)


def _tc_c_body(gmax, gsum, gcnt, w1a, w1b, b1, g4, be4, w2, b2, out):
    mx = gmax[...]
    mx = jnp.where(mx > -1e29, mx, 0.0)
    mean = gsum[...] / jnp.maximum(gcnt[...], 1.0)
    z = (jnp.dot(mx, w1a[...], preferred_element_type=jnp.float32)
         + jnp.dot(mean, w1b[...], preferred_element_type=jnp.float32)
         + b1[...])
    mu = jnp.mean(z, axis=0, keepdims=True)
    var = jnp.mean(z * z, axis=0, keepdims=True) - mu * mu
    z = (z - mu) * lax.rsqrt(var + 1e-5) * g4[...] + be4[...]
    z = jnp.maximum(z, 0.0)
    out[...] = jnp.dot(z, w2[...], preferred_element_type=jnp.float32) + b2[...]


def kernel(x, edge_index, batch, W_l, b_l, W_r, gamma1, beta1,
           fc1_W, fc1_b, gamma4, beta4, fc2_W, fc2_b):
    src = edge_index[0]
    dst = edge_index[1]

    aggdeg = _sc_aggregate(x, src, dst)
    a0 = aggdeg[0, :_N]
    d0 = aggdeg[1, :_N, 0:1]

    row_spec = pl.BlockSpec((_BR, _F), lambda i: (i, 0))
    col1_spec = pl.BlockSpec((_BR, 1), lambda i: (i, 0))
    w_spec = pl.BlockSpec((_F, _H), lambda i: (0, 0))
    vec_spec = pl.BlockSpec((1, _H), lambda i: (0, 0))

    half = lambda i: jnp.where(i < _NB, i, i - _NB)
    rowh_spec = pl.BlockSpec((_BR, _F), lambda i: (half(i), 0))
    col1h_spec = pl.BlockSpec((_BR, 1), lambda i: (half(i), 0))

    gmax, gsum, gcnt = pl.pallas_call(
        _tc_ab_body,
        grid=(2 * _NB,),
        in_specs=[rowh_spec, col1h_spec, rowh_spec,
                  w_spec, w_spec, vec_spec,
                  col1h_spec, vec_spec, vec_spec],
        out_specs=[pl.BlockSpec((_G, _H), lambda i: (0, 0)),
                   pl.BlockSpec((_G, _H), lambda i: (0, 0)),
                   pl.BlockSpec((_G, 1), lambda i: (0, 0))],
        out_shape=[jax.ShapeDtypeStruct((_G, _H), jnp.float32),
                   jax.ShapeDtypeStruct((_G, _H), jnp.float32),
                   jax.ShapeDtypeStruct((_G, 1), jnp.float32)],
        scratch_shapes=[pltpu.VMEM((_N, _H), jnp.float32),
                        pltpu.VMEM((1, _H), jnp.float32),
                        pltpu.VMEM((1, _H), jnp.float32)],
    )(a0, d0, x, W_l, W_r, b_l[None, :],
      batch[:, None], gamma1[None, :], beta1[None, :])

    logits = pl.pallas_call(
        _tc_c_body,
        in_specs=[pl.BlockSpec((_G, _H), lambda: (0, 0)),
                  pl.BlockSpec((_G, _H), lambda: (0, 0)),
                  pl.BlockSpec((_G, 1), lambda: (0, 0)),
                  pl.BlockSpec((_H, _H), lambda: (0, 0)),
                  pl.BlockSpec((_H, _H), lambda: (0, 0)),
                  pl.BlockSpec((1, _H), lambda: (0, 0)),
                  pl.BlockSpec((1, _H), lambda: (0, 0)),
                  pl.BlockSpec((1, _H), lambda: (0, 0)),
                  pl.BlockSpec((_H, _C), lambda: (0, 0)),
                  pl.BlockSpec((1, _C), lambda: (0, 0))],
        out_specs=pl.BlockSpec((_G, _C), lambda: (0, 0)),
        out_shape=jax.ShapeDtypeStruct((_G, _C), jnp.float32),
    )(gmax, gsum, gcnt, fc1_W[:_H], fc1_W[_H:], fc1_b[None, :],
      gamma4[None, :], beta4[None, :], fc2_W, fc2_b[None, :])

    return logits

# --- scband reference (transcript-rebuilt; emitter-appended) ---
"""Pipeline reference for scband-net-5214090297482 (READ-ONLY COPY).

The authoritative reference and input builder live on the scoring server;
editing this copy changes nothing except your own understanding.
"""

import jax, jax.numpy as jnp
import numpy as np

N = 10000
E = 320000
F = 128
H = 512
G = 64
C = 40


def setup_inputs(seed: int = 0) -> dict:
    key = jax.random.key(seed)
    ks = jax.random.split(key, 16)
    x = jax.random.normal(ks[0], (N, F), dtype=jnp.float32)
    edge_index = jax.random.randint(ks[1], (2, E), 0, N, dtype=jnp.int32)
    batch = jnp.sort(jax.random.randint(ks[2], (N,), 0, G, dtype=jnp.int32))
    # SAGEConv params: lin_l (applied to aggregated neighbors, with bias), lin_r (root, no bias)
    W_l = jax.random.normal(ks[3], (F, H), dtype=jnp.float32) / np.sqrt(F)
    b_l = jnp.zeros((H,), dtype=jnp.float32)
    W_r = jax.random.normal(ks[4], (F, H), dtype=jnp.float32) / np.sqrt(F)
    gamma1 = jnp.ones((H,), dtype=jnp.float32)
    beta1 = jnp.zeros((H,), dtype=jnp.float32)
    fc1_W = jax.random.normal(ks[5], (2 * H, H), dtype=jnp.float32) / np.sqrt(2 * H)
    fc1_b = jnp.zeros((H,), dtype=jnp.float32)
    gamma4 = jnp.ones((H,), dtype=jnp.float32)
    beta4 = jnp.zeros((H,), dtype=jnp.float32)
    fc2_W = jax.random.normal(ks[6], (H, C), dtype=jnp.float32) / np.sqrt(H)
    fc2_b = jnp.zeros((C,), dtype=jnp.float32)
    return {"x": x, "edge_index": edge_index, "batch": batch,
            "W_l": W_l, "b_l": b_l, "W_r": W_r,
            "gamma1": gamma1, "beta1": beta1,
            "fc1_W": fc1_W, "fc1_b": fc1_b,
            "gamma4": gamma4, "beta4": beta4,
            "fc2_W": fc2_W, "fc2_b": fc2_b}


def _batchnorm(h, gamma, beta, eps=1e-5):
    mu = h.mean(axis=0)
    var = h.var(axis=0)
    return (h - mu) / jnp.sqrt(var + eps) * gamma + beta


def reference(x, edge_index, batch, W_l, b_l, W_r, gamma1, beta1,
              fc1_W, fc1_b, gamma4, beta4, fc2_W, fc2_b):
    src = edge_index[0]
    dst = edge_index[1]
    # SAGEConv with mean aggregation: gather source feats, scatter-add to dst, divide by in-degree
    msgs = x[src]
    agg = jax.ops.segment_sum(msgs, dst, num_segments=N)
    deg = jax.ops.segment_sum(jnp.ones((E,), dtype=x.dtype), dst, num_segments=N)
    mean_agg = agg / jnp.clip(deg, 1.0)[:, None]
    h = mean_agg @ W_l + b_l + x @ W_r
    h = _batchnorm(h, gamma1, beta1)
    h = jax.nn.relu(h)
    # global max pool + global mean pool over graphs
    gmax = jax.ops.segment_max(h, batch, num_segments=G)
    gmax = jnp.where(jnp.isfinite(gmax), gmax, 0.0)
    cnt = jax.ops.segment_sum(jnp.ones((N,), dtype=h.dtype), batch, num_segments=G)
    gmean = jax.ops.segment_sum(h, batch, num_segments=G) / jnp.clip(cnt, 1.0)[:, None]
    p = jnp.concatenate([gmax, gmean], axis=1)
    z = p @ fc1_W + fc1_b
    z = _batchnorm(z, gamma4, beta4)
    z = jax.nn.relu(z)
    # dropout is identity in eval/deterministic reference
    logits = z @ fc2_W + fc2_b
    return logits

if __name__ == "__main__":
    import jax
    _d = setup_inputs()
    print(jax.jit(kernel)(*tuple(_d.values())))

</pallas_src>

<mosaic_0001>
#map = affine_map<(d0, d1) -> (0, 0)>
#map1 = affine_map<(d0, d1) -> (0)>
#map2 = affine_map<(d0, d1) -> (0, 0, 0)>
module attributes {stable_mosaic.version = 14 : i64} {
  func.func @_sc_body(%arg0: i32, %arg1: i32, %arg2: memref<20008x128xf32, #tpu.memory_space<hbm>>, %arg3: memref<2x321536xi32, #tpu.memory_space<hbm>>, %arg4: memref<321536xi32, #tpu.memory_space<hbm>>, %arg5: memref<80x128xf32, #tpu.memory_space<hbm>>, %arg6: memref<2x10240x128xf32, #tpu.memory_space<hbm>>, %arg7: memref<128xi32, #tpu.memory_space<vmem>>, %arg8: memref<128xi32, #tpu.memory_space<vmem>>, %arg9: memref<128x128xf32, #tpu.memory_space<vmem>>, %arg10: memref<80x128xf32, #tpu.memory_space<vmem>>, %arg11: memref<10240x128xf32, #tpu.memory_space<vmem_shared>>, %arg12: memref<!tpu.dma_semaphore, #tpu.memory_space<semaphore_mem>>) attributes {dimension_semantics = [#tpu.dimension_semantics<core_parallel>, #tpu.dimension_semantics<subcore_parallel>], iteration_bounds = array<i64: 2, 16>, scalar_prefetch = 0 : i64, scratch_operands = 6 : i64, tpu.core_type = #tpu.core_type<sc_vector_subcore>, window_params = [{transform_indices = #map}, {transform_indices = #map}, {transform_indices = #map1}, {transform_indices = #map}, {transform_indices = #map2}]} {
    "tpu.region"() ({
      %run_scoped3A = tpu.sem_alloc : memref<!tpu.dma_semaphore, #tpu.memory_space<semaphore_mem>>
      tpu.enqueue_dma source(%arg5 : memref<80x128xf32, #tpu.memory_space<hbm>>) target(%arg10 : memref<80x128xf32, #tpu.memory_space<vmem>>) target_semaphore(%run_scoped3A : memref<!tpu.dma_semaphore, #tpu.memory_space<semaphore_mem>>)
      tpu.wait_dma2 semaphore(%run_scoped3A : memref<!tpu.dma_semaphore, #tpu.memory_space<semaphore_mem>>) src(%arg5 : memref<80x128xf32, #tpu.memory_space<hbm>>) dst(%arg10 : memref<80x128xf32, #tpu.memory_space<vmem>>)
      tpu.yield
    }) : () -> ()
    %scan3A = arith.constant 0 : i32
    %scan3A_0 = arith.constant 0 : i32
    %scan3A_1 = arith.constant 8 : i32
    %scan3A_2 = arith.addi %scan3A_0, %scan3A_1 : i32
    %scan3A_3 = arith.constant 1 : i32
    scf.for %scan3A_18 = %scan3A_0 to %scan3A_2 step %scan3A_3  : i32 {
      %mul3A = arith.constant 8 : i32
      %mul3A_19 = arith.muli %arg1, %mul3A : i32
      %add3A = arith.addi %mul3A_19, %scan3A_18 : i32
      %mul3A_20 = arith.constant 80 : i32
      %mul3A_21 = arith.muli %add3A, %mul3A_20 : i32
      %multiple_of3A = tpu.assume_multiple %mul3A_21, 8 : i32
      "tpu.region"() ({
        %run_scoped3A = tpu.sem_alloc : memref<!tpu.dma_semaphore, #tpu.memory_space<semaphore_mem>>
        %dma_start3A = arith.constant 0 : i32
        %dma_start3A_22 = tpu.memref_slice %arg11[%multiple_of3A, %dma_start3A] : memref<10240x128xf32, #tpu.memory_space<vmem_shared>> -> memref<80x128xf32, #tpu.memory_space<vmem_shared>>
        %dma_start3A_23 = arith.constant 0 : i32
        %dma_start3A_24 = tpu.memref_slice %arg11[%multiple_of3A, %dma_start3A_23] : memref<10240x128xf32, #tpu.memory_space<vmem_shared>> -> memref<80x128xf32, #tpu.memory_space<vmem_shared>>
        tpu.enqueue_dma source(%arg10 : memref<80x128xf32, #tpu.memory_space<vmem>>) target(%dma_start3A_24 : memref<80x128xf32, #tpu.memory_space<vmem_shared>>) target_semaphore(%run_scoped3A : memref<!tpu.dma_semaphore, #tpu.memory_space<semaphore_mem>>)
        %dma_wait3A = arith.constant 0 : i32
        %dma_wait3A_25 = tpu.memref_slice %arg11[%multiple_of3A, %dma_wait3A] : memref<10240x128xf32, #tpu.memory_space<vmem_shared>> -> memref<80x128xf32, #tpu.memory_space<vmem_shared>>
        %dma_wait3A_26 = arith.constant 0 : i32
        %dma_wait3A_27 = tpu.memref_slice %arg11[%multiple_of3A, %dma_wait3A_26] : memref<10240x128xf32, #tpu.memory_space<vmem_shared>> -> memref<80x128xf32, #tpu.memory_space<vmem_shared>>
        tpu.wait_dma2 semaphore(%run_scoped3A : memref<!tpu.dma_semaphore, #tpu.memory_space<semaphore_mem>>) src(%arg10 : memref<80x128xf32, #tpu.memory_space<vmem>>) dst(%dma_wait3A_27 : memref<80x128xf32, #tpu.memory_space<vmem_shared>>)
        tpu.yield
      }) : () -> ()
    }
    %scan3A_4 = arith.constant 8 : i32
    %barrier3A = arith.constant 0 : index
    tpu.barrier barrier_id(%barrier3A)
    %scan3A_5 = arith.constant 0 : i32
    %scan3A_6 = arith.constant 0 : i32
    %scan3A_7 = arith.constant 157 : i32
    %scan3A_8 = arith.addi %scan3A_6, %scan3A_7 : i32
    %scan3A_9 = arith.constant 1 : i32
    scf.for %scan3A_18 = %scan3A_6 to %scan3A_8 step %scan3A_9  : i32 {
      %mul3A = arith.constant 20096 : i32
      %mul3A_19 = arith.muli %arg1, %mul3A : i32
      %mul3A_20 = arith.constant 128 : i32
      %mul3A_21 = arith.muli %scan3A_18, %mul3A_20 : i32
      %add3A = arith.addi %mul3A_19, %mul3A_21 : i32
      %multiple_of3A = tpu.assume_multiple %add3A, 128 : i32
      "tpu.region"() ({
        %run_scoped3A = tpu.sem_alloc : memref<!tpu.dma_semaphore, #tpu.memory_space<semaphore_mem>>
        %dma_start3A_26 = arith.constant 0 : i32
        %dma_start3A_27 = tpu.memref_slice %arg3[%arg0, %dma_start3A_26] : memref<2x321536xi32, #tpu.memory_space<hbm>> -> memref<1x321536xi32, #tpu.memory_space<hbm>>
        %dma_start3A_28 = tpu.memref_squeeze %dma_start3A_27 : memref<1x321536xi32, #tpu.memory_space<hbm>> -> memref<321536xi32, #tpu.memory_space<hbm>>
        %dma_start3A_29 = tpu.memref_slice %dma_start3A_28[%multiple_of3A] : memref<321536xi32, #tpu.memory_space<hbm>> -> memref<128xi32, #tpu.memory_space<hbm>>
        %dma_start3A_30 = arith.constant 0 : i32
        %dma_start3A_31 = tpu.memref_slice %arg3[%arg0, %dma_start3A_30] : memref<2x321536xi32, #tpu.memory_space<hbm>> -> memref<1x321536xi32, #tpu.memory_space<hbm>>
        %dma_start3A_32 = tpu.memref_squeeze %dma_start3A_31 : memref<1x321536xi32, #tpu.memory_space<hbm>> -> memref<321536xi32, #tpu.memory_space<hbm>>
        %dma_start3A_33 = tpu.memref_slice %dma_start3A_32[%multiple_of3A] : memref<321536xi32, #tpu.memory_space<hbm>> -> memref<128xi32, #tpu.memory_space<hbm>>
        tpu.enqueue_dma source(%dma_start3A_33 : memref<128xi32, #tpu.memory_space<hbm>>) target(%arg7 : memref<128xi32, #tpu.memory_space<vmem>>) target_semaphore(%run_scoped3A : memref<!tpu.dma_semaphore, #tpu.memory_space<semaphore_mem>>)
        %dma_wait3A_34 = arith.constant 0 : i32
        %dma_wait3A_35 = tpu.memref_slice %arg3[%arg0, %dma_wait3A_34] : memref<2x321536xi32, #tpu.memory_space<hbm>> -> memref<1x321536xi32, #tpu.memory_space<hbm>>
        %dma_wait3A_36 = tpu.memref_squeeze %dma_wait3A_35 : memref<1x321536xi32, #tpu.memory_space<hbm>> -> memref<321536xi32, #tpu.memory_space<hbm>>
        %dma_wait3A_37 = tpu.memref_slice %dma_wait3A_36[%multiple_of3A] : memref<321536xi32, #tpu.memory_space<hbm>> -> memref<128xi32, #tpu.memory_space<hbm>>
        %dma_wait3A_38 = arith.constant 0 : i32
        %dma_wait3A_39 = tpu.memref_slice %arg3[%arg0, %dma_wait3A_38] : memref<2x321536xi32, #tpu.memory_space<hbm>> -> memref<1x321536xi32, #tpu.memory_space<hbm>>
        %dma_wait3A_40 = tpu.memref_squeeze %dma_wait3A_39 : memref<1x321536xi32, #tpu.memory_space<hbm>> -> memref<321536xi32, #tpu.memory_space<hbm>>
        %dma_wait3A_41 = tpu.memref_slice %dma_wait3A_40[%multiple_of3A] : memref<321536xi32, #tpu.memory_space<hbm>> -> memref<128xi32, #tpu.memory_space<hbm>>
        tpu.wait_dma2 semaphore(%run_scoped3A : memref<!tpu.dma_semaphore, #tpu.memory_space<semaphore_mem>>) src(%dma_wait3A_41 : memref<128xi32, #tpu.memory_space<hbm>>) dst(%arg7 : memref<128xi32, #tpu.memory_space<vmem>>)
        tpu.yield
      }) : () -> ()
      "tpu.region"() ({
        %run_scoped3A = tpu.sem_alloc : memref<!tpu.dma_semaphore, #tpu.memory_space<semaphore_mem>>
        %dma_start3A_26 = tpu.memref_slice %arg4[%multiple_of3A] : memref<321536xi32, #tpu.memory_space<hbm>> -> memref<128xi32, #tpu.memory_space<hbm>>
        %dma_start3A_27 = tpu.memref_slice %arg4[%multiple_of3A] : memref<321536xi32, #tpu.memory_space<hbm>> -> memref<128xi32, #tpu.memory_space<hbm>>
        tpu.enqueue_dma source(%dma_start3A_27 : memref<128xi32, #tpu.memory_space<hbm>>) target(%arg8 : memref<128xi32, #tpu.memory_space<vmem>>) target_semaphore(%run_scoped3A : memref<!tpu.dma_semaphore, #tpu.memory_space<semaphore_mem>>)
        %dma_wait3A_28 = tpu.memref_slice %arg4[%multiple_of3A] : memref<321536xi32, #tpu.memory_space<hbm>> -> memref<128xi32, #tpu.memory_space<hbm>>
        %dma_wait3A_29 = tpu.memref_slice %arg4[%multiple_of3A] : memref<321536xi32, #tpu.memory_space<hbm>> -> memref<128xi32, #tpu.memory_space<hbm>>
        tpu.wait_dma2 semaphore(%run_scoped3A : memref<!tpu.dma_semaphore, #tpu.memory_space<semaphore_mem>>) src(%dma_wait3A_29 : memref<128xi32, #tpu.memory_space<hbm>>) dst(%arg8 : memref<128xi32, #tpu.memory_space<vmem>>)
        tpu.yield
      }) : () -> ()
      %dma_start3A = arith.constant 0 : i32
      %dma_start3A_22 = arith.constant 0 : i32
      %dma_start3A_23 = tpu.memref_slice %arg2[%dma_start3A, %dma_start3A_22] : memref<20008x128xf32, #tpu.memory_space<hbm>> -> memref<20008x128xf32, #tpu.memory_space<hbm>>
      tpu.enqueue_indirect_dma source(%dma_start3A_23 : memref<20008x128xf32, #tpu.memory_space<hbm>>) target(%arg9 : memref<128x128xf32, #tpu.memory_space<vmem>>) offsets(%arg7 : memref<128xi32, #tpu.memory_space<vmem>>) semaphore(%arg12 : memref<!tpu.dma_semaphore, #tpu.memory_space<semaphore_mem>>)
      %dma_wait3A = arith.constant 0 : i32
      %dma_wait3A_24 = arith.constant 0 : i32
      %dma_wait3A_25 = tpu.memref_slice %arg2[%dma_wait3A, %dma_wait3A_24] : memref<20008x128xf32, #tpu.memory_space<hbm>> -> memref<20008x128xf32, #tpu.memory_space<hbm>>
      tpu.wait_indirect_dma semaphore(%arg12 : memref<!tpu.dma_semaphore, #tpu.memory_space<semaphore_mem>>) src(%dma_wait3A_25 : memref<20008x128xf32, #tpu.memory_space<hbm>>) dst(%arg9 : memref<128x128xf32, #tpu.memory_space<vmem>>)
      "tpu.region"() ({
        %run_scoped3A = tpu.sem_alloc : memref<!tpu.dma_semaphore, #tpu.memory_space<semaphore_mem>>
        %dma_start3A_26 = arith.constant 0 : i32
        %dma_start3A_27 = arith.constant 0 : i32
        %dma_start3A_28 = tpu.memref_slice %arg11[%dma_start3A_26, %dma_start3A_27] : memref<10240x128xf32, #tpu.memory_space<vmem_shared>> -> memref<10240x128xf32, #tpu.memory_space<vmem_shared>>
        tpu.enqueue_indirect_dma source(%arg9 : memref<128x128xf32, #tpu.memory_space<vmem>>) target(%dma_start3A_28 : memref<10240x128xf32, #tpu.memory_space<vmem_shared>>) offsets(%arg8 : memref<128xi32, #tpu.memory_space<vmem>>) semaphore(%run_scoped3A : memref<!tpu.dma_semaphore, #tpu.memory_space<semaphore_mem>>) {add = true}
        %dma_wait3A_29 = arith.constant 0 : i32
        %dma_wait3A_30 = arith.constant 0 : i32
        %dma_wait3A_31 = tpu.memref_slice %arg11[%dma_wait3A_29, %dma_wait3A_30] : memref<10240x128xf32, #tpu.memory_space<vmem_shared>> -> memref<10240x128xf32, #tpu.memory_space<vmem_shared>>
        tpu.wait_indirect_dma semaphore(%run_scoped3A : memref<!tpu.dma_semaphore, #tpu.memory_space<semaphore_mem>>) src(%arg9 : memref<128x128xf32, #tpu.memory_space<vmem>>) dst(%dma_wait3A_31 : memref<10240x128xf32, #tpu.memory_space<vmem_shared>>)
        tpu.yield
      }) : () -> ()
    }
    %scan3A_10 = arith.constant 157 : i32
    %barrier3A_11 = arith.constant 0 : index
    tpu.barrier barrier_id(%barrier3A_11)
    %scan3A_12 = arith.constant 0 : i32
    %scan3A_13 = arith.constant 0 : i32
    %scan3A_14 = arith.constant 8 : i32
    %scan3A_15 = arith.addi %scan3A_13, %scan3A_14 : i32
    %scan3A_16 = arith.constant 1 : i32
    scf.for %scan3A_18 = %scan3A_13 to %scan3A_15 step %scan3A_16  : i32 {
      %mul3A = arith.constant 8 : i32
      %mul3A_19 = arith.muli %arg1, %mul3A : i32
      %add3A = arith.addi %mul3A_19, %scan3A_18 : i32
      %mul3A_20 = arith.constant 80 : i32
      %mul3A_21 = arith.muli %add3A, %mul3A_20 : i32
      %multiple_of3A = tpu.assume_multiple %mul3A_21, 8 : i32
      "tpu.region"() ({
        %run_scoped3A = tpu.sem_alloc : memref<!tpu.dma_semaphore, #tpu.memory_space<semaphore_mem>>
        %dma_start3A = arith.constant 0 : i32
        %dma_start3A_22 = arith.constant 0 : i32
        %dma_start3A_23 = tpu.memref_slice %arg6[%arg0, %dma_start3A, %dma_start3A_22] : memref<2x10240x128xf32, #tpu.memory_space<hbm>> -> memref<1x10240x128xf32, #tpu.memory_space<hbm>>
        %dma_start3A_24 = tpu.memref_squeeze %dma_start3A_23 : memref<1x10240x128xf32, #tpu.memory_space<hbm>> -> memref<10240x128xf32, #tpu.memory_space<hbm>>
        %dma_start3A_25 = arith.constant 0 : i32
        %dma_start3A_26 = tpu.memref_slice %dma_start3A_24[%multiple_of3A, %dma_start3A_25] : memref<10240x128xf32, #tpu.memory_space<hbm>> -> memref<80x128xf32, #tpu.memory_space<hbm>>
        %dma_start3A_27 = arith.constant 0 : i32
        %dma_start3A_28 = tpu.memref_slice %arg11[%multiple_of3A, %dma_start3A_27] : memref<10240x128xf32, #tpu.memory_space<vmem_shared>> -> memref<80x128xf32, #tpu.memory_space<vmem_shared>>
        tpu.enqueue_dma source(%dma_start3A_28 : memref<80x128xf32, #tpu.memory_space<vmem_shared>>) target(%dma_start3A_26 : memref<80x128xf32, #tpu.memory_space<hbm>>) target_semaphore(%run_scoped3A : memref<!tpu.dma_semaphore, #tpu.memory_space<semaphore_mem>>)
        %dma_wait3A = arith.constant 0 : i32
        %dma_wait3A_29 = arith.constant 0 : i32
        %dma_wait3A_30 = tpu.memref_slice %arg6[%arg0, %dma_wait3A, %dma_wait3A_29] : memref<2x10240x128xf32, #tpu.memory_space<hbm>> -> memref<1x10240x128xf32, #tpu.memory_space<hbm>>
        %dma_wait3A_31 = tpu.memref_squeeze %dma_wait3A_30 : memref<1x10240x128xf32, #tpu.memory_space<hbm>> -> memref<10240x128xf32, #tpu.memory_space<hbm>>
        %dma_wait3A_32 = arith.constant 0 : i32
        %dma_wait3A_33 = tpu.memref_slice %dma_wait3A_31[%multiple_of3A, %dma_wait3A_32] : memref<10240x128xf32, #tpu.memory_space<hbm>> -> memref<80x128xf32, #tpu.memory_space<hbm>>
        %dma_wait3A_34 = arith.constant 0 : i32
        %dma_wait3A_35 = tpu.memref_slice %arg11[%multiple_of3A, %dma_wait3A_34] : memref<10240x128xf32, #tpu.memory_space<vmem_shared>> -> memref<80x128xf32, #tpu.memory_space<vmem_shared>>
        tpu.wait_dma2 semaphore(%run_scoped3A : memref<!tpu.dma_semaphore, #tpu.memory_space<semaphore_mem>>) src(%dma_wait3A_35 : memref<80x128xf32, #tpu.memory_space<vmem_shared>>) dst(%dma_wait3A_33 : memref<80x128xf32, #tpu.memory_space<hbm>>)
        tpu.yield
      }) : () -> ()
    }
    %scan3A_17 = arith.constant 8 : i32
    return
  }
}

module attributes {stable_mosaic.version = 14 : i64} {
  func.func @_tc_ab_body(%arg0: i32, %arg1: memref<400x128xf32, #tpu.memory_space<vmem>>, %arg2: memref<400x1xf32, #tpu.memory_space<vmem>>, %arg3: memref<400x128xf32, #tpu.memory_space<vmem>>, %arg4: memref<128x512xf32, #tpu.memory_space<vmem>>, %arg5: memref<128x512xf32, #tpu.memory_space<vmem>>, %arg6: memref<1x512xf32, #tpu.memory_space<vmem>>, %arg7: memref<400x1xi32, #tpu.memory_space<vmem>>, %arg8: memref<1x512xf32, #tpu.memory_space<vmem>>, %arg9: memref<1x512xf32, #tpu.memory_space<vmem>>, %arg10: memref<64x512xf32, #tpu.memory_space<vmem>>, %arg11: memref<64x512xf32, #tpu.memory_space<vmem>>, %arg12: memref<64x1xf32, #tpu.memory_space<vmem>>, %arg13: memref<10000x512xf32, #tpu.memory_space<vmem>>, %arg14: memref<1x512xf32, #tpu.memory_space<vmem>>, %arg15: memref<1x512xf32, #tpu.memory_space<vmem>>) attributes {dimension_semantics = [#tpu.dimension_semantics<arbitrary>], iteration_bounds = array<i64: 50>, scalar_prefetch = 0 : i64, scratch_operands = 3 : i64, tpu.core_type = #tpu.core_type<tc>, window_params = [{transform_indices = @transform_0, window_bounds = array<i64: 400, 128>}, {transform_indices = @transform_1, window_bounds = array<i64: 400, 1>}, {transform_indices = @transform_2, window_bounds = array<i64: 400, 128>}, {pipeline_mode = #tpu.pipeline_mode<synchronous>, transform_indices = @transform_3, window_bounds = array<i64: 128, 512>}, {pipeline_mode = #tpu.pipeline_mode<synchronous>, transform_indices = @transform_4, window_bounds = array<i64: 128, 512>}, {pipeline_mode = #tpu.pipeline_mode<synchronous>, transform_indices = @transform_5, window_bounds = array<i64: 1, 512>}, {transform_indices = @transform_6, window_bounds = array<i64: 400, 1>}, {pipeline_mode = #tpu.pipeline_mode<synchronous>, transform_indices = @transform_7, window_bounds = array<i64: 1, 512>}, {pipeline_mode = #tpu.pipeline_mode<synchronous>, transform_indices = @transform_8, window_bounds = array<i64: 1, 512>}, {pipeline_mode = #tpu.pipeline_mode<synchronous>, transform_indices = @transform_9, window_bounds = array<i64: 64, 512>}, {pipeline_mode = #tpu.pipeline_mode<synchronous>, transform_indices = @transform_10, window_bounds = array<i64: 64, 512>}, {pipeline_mode = #tpu.pipeline_mode<synchronous>, transform_indices = @transform_11, window_bounds = array<i64: 64, 1>}]} {
    %lt3A = arith.constant 25 : i32
    %lt3A_0 = arith.cmpi slt, %arg0, %lt3A : i32
    %convert_element_type3A = arith.extui %lt3A_0 : i1 to i32
    %cond3A = arith.constant 0 : i32
    %cond3A_1 = arith.cmpi ne, %convert_element_type3A, %cond3A : i32
    scf.if %cond3A_1 {
      %get3A = arith.constant 0 : index
      %get3A_6 = arith.constant 0 : index
      %get3A_7 = vector.load %arg2[%get3A, %get3A_6] : memref<400x1xf32, #tpu.memory_space<vmem>>, vector<400x1xf32>
      %max3A = arith.constant 1.000000e+00 : f32
      %max3A_8 = vector.broadcast %max3A : f32 to vector<400x1xf32>
      %max3A_9 = arith.maximumf %get3A_7, %max3A_8 : vector<400x1xf32>
      %get3A_10 = arith.constant 0 : index
      %get3A_11 = arith.constant 0 : index
      %get3A_12 = vector.load %arg1[%get3A_10, %get3A_11] : memref<400x128xf32, #tpu.memory_space<vmem>>, vector<400x128xf32>
      %div3A = vector.broadcast %max3A_9 : vector<400x1xf32> to vector<400x128xf32>
      %div3A_13 = arith.divf %get3A_12, %div3A : vector<400x128xf32>
      %get3A_14 = arith.constant 0 : index
      %get3A_15 = arith.constant 0 : index
      %get3A_16 = vector.load %arg4[%get3A_14, %get3A_15] : memref<128x512xf32, #tpu.memory_space<vmem>>, vector<128x512xf32>
      %dot_general3A = arith.constant dense<0.000000e+00> : vector<400x512xf32>
      %dot_general3A_17 = tpu.matmul %div3A_13, %get3A_16, %dot_general3A {dimension_numbers = #tpu.dot_dimension_numbers<[1], [0], [0], [1], [0, 0, 1, 1], [], []>, transpose_lhs_hint = false} : vector<400x128xf32>, vector<128x512xf32>, vector<400x512xf32> -> vector<400x512xf32>
      %get3A_18 = arith.constant 0 : index
      %get3A_19 = arith.constant 0 : index
      %get3A_20 = vector.load %arg3[%get3A_18, %get3A_19] : memref<400x128xf32, #tpu.memory_space<vmem>>, vector<400x128xf32>
      %get3A_21 = arith.constant 0 : index
      %get3A_22 = arith.constant 0 : index
      %get3A_23 = vector.load %arg5[%get3A_21, %get3A_22] : memref<128x512xf32, #tpu.memory_space<vmem>>, vector<128x512xf32>
      %dot_general3A_24 = arith.constant dense<0.000000e+00> : vector<400x512xf32>
      %dot_general3A_25 = tpu.matmul %get3A_20, %get3A_23, %dot_general3A_24 {dimension_numbers = #tpu.dot_dimension_numbers<[1], [0], [0], [1], [0, 0, 1, 1], [], []>, transpose_lhs_hint = false} : vector<400x128xf32>, vector<128x512xf32>, vector<400x512xf32> -> vector<400x512xf32>
      %add3A = arith.addf %dot_general3A_17, %dot_general3A_25 : vector<400x512xf32>
      %get3A_26 = arith.constant 0 : index
      %get3A_27 = arith.constant 0 : index
      %get3A_28 = vector.load %arg6[%get3A_26, %get3A_27] : memref<1x512xf32, #tpu.memory_space<vmem>>, vector<1x512xf32>
      %add3A_29 = vector.broadcast %get3A_28 : vector<1x512xf32> to vector<400x512xf32>
      %add3A_30 = arith.addf %add3A, %add3A_29 : vector<400x512xf32>
      %mul3A = arith.constant 400 : i32
      %mul3A_31 = arith.muli %arg0, %mul3A : i32
      %swap3A = arith.index_cast %mul3A_31 : i32 to index
      %swap3A_32 = arith.constant 0 : index
      %swap3A_33 = vector.load %arg13[%swap3A, %swap3A_32] : memref<10000x512xf32, #tpu.memory_space<vmem>>, vector<400x512xf32>
      tpu.vector_store %arg13[%swap3A, %swap3A_32], %add3A_30 {strides = array<i32>} : memref<10000x512xf32, #tpu.memory_space<vmem>>, vector<400x512xf32>,
      %eq3A = arith.constant 0 : i32
      %eq3A_34 = arith.cmpi eq, %arg0, %eq3A : i32
      %convert_element_type3A_35 = arith.extui %eq3A_34 : i1 to i32
      %cond3A_36 = arith.constant 0 : i32
      %cond3A_37 = arith.cmpi ne, %convert_element_type3A_35, %cond3A_36 : i32
      scf.if %cond3A_37 {
        %broadcast_in_dim3A_57 = arith.constant 0.000000e+00 : f32
        %broadcast_in_dim3A_58 = vector.broadcast %broadcast_in_dim3A_57 : f32 to vector<1x512xf32>
        %swap3A_59 = arith.constant 0 : index
        %swap3A_60 = arith.constant 0 : index
        %swap3A_61 = vector.load %arg14[%swap3A_59, %swap3A_60] : memref<1x512xf32, #tpu.memory_space<vmem>>, vector<1x512xf32>
        tpu.vector_store %arg14[%swap3A_59, %swap3A_60], %broadcast_in_dim3A_58 {strides = array<i32>} : memref<1x512xf32, #tpu.memory_space<vmem>>, vector<1x512xf32>,
        %broadcast_in_dim3A_62 = arith.constant 0.000000e+00 : f32
        %broadcast_in_dim3A_63 = vector.broadcast %broadcast_in_dim3A_62 : f32 to vector<1x512xf32>
        %swap3A_64 = arith.constant 0 : index
        %swap3A_65 = arith.constant 0 : index
        %swap3A_66 = vector.load %arg15[%swap3A_64, %swap3A_65] : memref<1x512xf32, #tpu.memory_space<vmem>>, vector<1x512xf32>
        tpu.vector_store %arg15[%swap3A_64, %swap3A_65], %broadcast_in_dim3A_63 {strides = array<i32>} : memref<1x512xf32, #tpu.memory_space<vmem>>, vector<1x512xf32>,
      } else {
      }
      %get3A_38 = arith.constant 0 : index
      %get3A_39 = arith.constant 0 : index
      %get3A_40 = vector.load %arg14[%get3A_38, %get3A_39] : memref<1x512xf32, #tpu.memory_space<vmem>>, vector<1x512xf32>
      %reduce_sum3A = arith.constant dense<0.000000e+00> : vector<512xf32>
      %reduce_sum3A_41 = vector.multi_reduction <add>, %add3A_30, %reduce_sum3A [0] : vector<400x512xf32> to vector<512xf32>
      %broadcast_in_dim3A = vector.shape_cast %reduce_sum3A_41 : vector<512xf32> to vector<1x512xf32>
      %add3A_42 = arith.addf %get3A_40, %broadcast_in_dim3A : vector<1x512xf32>
      %swap3A_43 = arith.constant 0 : index
      %swap3A_44 = arith.constant 0 : index
      %swap3A_45 = vector.load %arg14[%swap3A_43, %swap3A_44] : memref<1x512xf32, #tpu.memory_space<vmem>>, vector<1x512xf32>
      tpu.vector_store %arg14[%swap3A_43, %swap3A_44], %add3A_42 {strides = array<i32>} : memref<1x512xf32, #tpu.memory_space<vmem>>, vector<1x512xf32>,
      %get3A_46 = arith.constant 0 : index
      %get3A_47 = arith.constant 0 : index
      %get3A_48 = vector.load %arg15[%get3A_46, %get3A_47] : memref<1x512xf32, #tpu.memory_space<vmem>>, vector<1x512xf32>
      %mul3A_49 = arith.mulf %add3A_30, %add3A_30 : vector<400x512xf32>
      %reduce_sum3A_50 = arith.constant dense<0.000000e+00> : vector<512xf32>
      %reduce_sum3A_51 = vector.multi_reduction <add>, %mul3A_49, %reduce_sum3A_50 [0] : vector<400x512xf32> to vector<512xf32>
      %broadcast_in_dim3A_52 = vector.shape_cast %reduce_sum3A_51 : vector<512xf32> to vector<1x512xf32>
      %add3A_53 = arith.addf %get3A_48, %broadcast_in_dim3A_52 : vector<1x512xf32>
      %swap3A_54 = arith.constant 0 : index
      %swap3A_55 = arith.constant 0 : index
      %swap3A_56 = vector.load %arg15[%swap3A_54, %swap3A_55] : memref<1x512xf32, #tpu.memory_space<vmem>>, vector<1x512xf32>
      tpu.vector_store %arg15[%swap3A_54, %swap3A_55], %add3A_53 {strides = array<i32>} : memref<1x512xf32, #tpu.memory_space<vmem>>, vector<1x512xf32>,
    } else {
    }
    %ge3A = arith.constant 25 : i32
    %ge3A_2 = arith.cmpi sge, %arg0, %ge3A : i32
    %convert_element_type3A_3 = arith.extui %ge3A_2 : i1 to i32
    %cond3A_4 = arith.constant 0 : i32
    %cond3A_5 = arith.cmpi ne, %convert_element_type3A_3, %cond3A_4 : i32
    scf.if %cond3A_5 {
      %sub3A = arith.constant 25 : i32
      %sub3A_6 = arith.subi %arg0, %sub3A : i32
      %get3A = arith.constant 0 : index
      %get3A_7 = arith.constant 0 : index
      %get3A_8 = vector.load %arg14[%get3A, %get3A_7] : memref<1x512xf32, #tpu.memory_space<vmem>>, vector<1x512xf32>
      %mul3A = arith.constant 9.99999974E-5 : f32
      %mul3A_9 = vector.broadcast %mul3A : f32 to vector<1x512xf32>
      %mul3A_10 = arith.mulf %get3A_8, %mul3A_9 : vector<1x512xf32>
      %get3A_11 = arith.constant 0 : index
      %get3A_12 = arith.constant 0 : index
      %get3A_13 = vector.load %arg15[%get3A_11, %get3A_12] : memref<1x512xf32, #tpu.memory_space<vmem>>, vector<1x512xf32>
      %mul3A_14 = arith.constant 9.99999974E-5 : f32
      %mul3A_15 = vector.broadcast %mul3A_14 : f32 to vector<1x512xf32>
      %mul3A_16 = arith.mulf %get3A_13, %mul3A_15 : vector<1x512xf32>
      %mul3A_17 = arith.mulf %mul3A_10, %mul3A_10 : vector<1x512xf32>
      %sub3A_18 = arith.subf %mul3A_16, %mul3A_17 : vector<1x512xf32>
      %add3A = arith.constant 9.99999974E-6 : f32
      %add3A_19 = vector.broadcast %add3A : f32 to vector<1x512xf32>
      %add3A_20 = arith.addf %sub3A_18, %add3A_19 : vector<1x512xf32>
      %rsqrt3A = math.rsqrt %add3A_20 : vector<1x512xf32>
      %mul3A_21 = arith.constant 400 : i32
      %mul3A_22 = arith.muli %sub3A_6, %mul3A_21 : i32
      %get3A_23 = arith.index_cast %mul3A_22 : i32 to index
      %get3A_24 = arith.constant 0 : index
      %get3A_25 = vector.load %arg13[%get3A_23, %get3A_24] : memref<10000x512xf32, #tpu.memory_space<vmem>>, vector<400x512xf32>
      %sub3A_26 = vector.broadcast %mul3A_10 : vector<1x512xf32> to vector<400x512xf32>
      %sub3A_27 = arith.subf %get3A_25, %sub3A_26 : vector<400x512xf32>
      %mul3A_28 = vector.broadcast %rsqrt3A : vector<1x512xf32> to vector<400x512xf32>
      %mul3A_29 = arith.mulf %sub3A_27, %mul3A_28 : vector<400x512xf32>
      %get3A_30 = arith.constant 0 : index
      %get3A_31 = arith.constant 0 : index
      %get3A_32 = vector.load %arg8[%get3A_30, %get3A_31] : memref<1x512xf32, #tpu.memory_space<vmem>>, vector<1x512xf32>
      %mul3A_33 = vector.broadcast %get3A_32 : vector<1x512xf32> to vector<400x512xf32>
      %mul3A_34 = arith.mulf %mul3A_29, %mul3A_33 : vector<400x512xf32>
      %get3A_35 = arith.constant 0 : index
      %get3A_36 = arith.constant 0 : index
      %get3A_37 = vector.load %arg9[%get3A_35, %get3A_36] : memref<1x512xf32, #tpu.memory_space<vmem>>, vector<1x512xf32>
      %add3A_38 = vector.broadcast %get3A_37 : vector<1x512xf32> to vector<400x512xf32>
      %add3A_39 = arith.addf %mul3A_34, %add3A_38 : vector<400x512xf32>
      %max3A = arith.constant 0.000000e+00 : f32
      %max3A_40 = vector.broadcast %max3A : f32 to vector<400x512xf32>
      %max3A_41 = arith.maximumf %add3A_39, %max3A_40 : vector<400x512xf32>
      %get3A_42 = arith.constant 0 : index
      %get3A_43 = arith.constant 0 : index
      %get3A_44 = vector.load %arg7[%get3A_42, %get3A_43] : memref<400x1xi32, #tpu.memory_space<vmem>>, vector<400x1xi32>
      %iota3A = tpu.iota {dimensions = array<i32: 1>} : vector<1x64xi32>
      %eq3A = vector.broadcast %get3A_44 : vector<400x1xi32> to vector<400x64xi32>
      %eq3A_45 = vector.broadcast %iota3A : vector<1x64xi32> to vector<400x64xi32>
      %eq3A_46 = arith.cmpi eq, %eq3A, %eq3A_45 : vector<400x64xi32>
      %convert_element_type3A_47 = arith.extui %eq3A_46 : vector<400x64xi1> to vector<400x64xi32>
      %convert_element_type3A_48 = arith.sitofp %convert_element_type3A_47 : vector<400x64xi32> to vector<400x64xf32>
      %eq3A_49 = arith.constant 0 : i32
      %eq3A_50 = arith.cmpi eq, %sub3A_6, %eq3A_49 : i32
      %convert_element_type3A_51 = arith.extui %eq3A_50 : i1 to i32
      %cond3A_52 = arith.constant 0 : i32
      %cond3A_53 = arith.cmpi ne, %convert_element_type3A_51, %cond3A_52 : i32
      scf.if %cond3A_53 {
        %broadcast_in_dim3A_97 = arith.constant -1.000000e+30 : f32
        %broadcast_in_dim3A_98 = vector.broadcast %broadcast_in_dim3A_97 : f32 to vector<64x512xf32>
        %swap3A_99 = arith.constant 0 : index
        %swap3A_100 = arith.constant 0 : index
        %swap3A_101 = vector.load %arg10[%swap3A_99, %swap3A_100] : memref<64x512xf32, #tpu.memory_space<vmem>>, vector<64x512xf32>
        tpu.vector_store %arg10[%swap3A_99, %swap3A_100], %broadcast_in_dim3A_98 {strides = array<i32>} : memref<64x512xf32, #tpu.memory_space<vmem>>, vector<64x512xf32>,
        %broadcast_in_dim3A_102 = arith.constant 0.000000e+00 : f32
        %broadcast_in_dim3A_103 = vector.broadcast %broadcast_in_dim3A_102 : f32 to vector<64x512xf32>
        %swap3A_104 = arith.constant 0 : index
        %swap3A_105 = arith.constant 0 : index
        %swap3A_106 = vector.load %arg11[%swap3A_104, %swap3A_105] : memref<64x512xf32, #tpu.memory_space<vmem>>, vector<64x512xf32>
        tpu.vector_store %arg11[%swap3A_104, %swap3A_105], %broadcast_in_dim3A_103 {strides = array<i32>} : memref<64x512xf32, #tpu.memory_space<vmem>>, vector<64x512xf32>,
        %broadcast_in_dim3A_107 = arith.constant 0.000000e+00 : f32
        %broadcast_in_dim3A_108 = vector.broadcast %broadcast_in_dim3A_107 : f32 to vector<64x1xf32>
        %swap3A_109 = arith.constant 0 : index
        %swap3A_110 = arith.constant 0 : index
        %swap3A_111 = vector.load %arg12[%swap3A_109, %swap3A_110] : memref<64x1xf32, #tpu.memory_space<vmem>>, vector<64x1xf32>
        tpu.vector_store %arg12[%swap3A_109, %swap3A_110], %broadcast_in_dim3A_108 {strides = array<i32>} : memref<64x1xf32, #tpu.memory_space<vmem>>, vector<64x1xf32>,
      } else {
      }
      %get3A_54 = arith.constant 0 : index
      %get3A_55 = arith.constant 0 : index
      %get3A_56 = vector.load %arg11[%get3A_54, %get3A_55] : memref<64x512xf32, #tpu.memory_space<vmem>>, vector<64x512xf32>
      %dot_general3A = arith.constant dense<0.000000e+00> : vector<64x512xf32>
      %dot_general3A_57 = tpu.matmul %convert_element_type3A_48, %max3A_41, %dot_general3A {dimension_numbers = #tpu.dot_dimension_numbers<[0], [0], [1], [1], [0, 1, 1, 1], [], []>, transpose_lhs_hint = false} : vector<400x64xf32>, vector<400x512xf32>, vector<64x512xf32> -> vector<64x512xf32>
      %add3A_58 = arith.addf %get3A_56, %dot_general3A_57 : vector<64x512xf32>
      %swap3A = arith.constant 0 : index
      %swap3A_59 = arith.constant 0 : index
      %swap3A_60 = vector.load %arg11[%swap3A, %swap3A_59] : memref<64x512xf32, #tpu.memory_space<vmem>>, vector<64x512xf32>
      tpu.vector_store %arg11[%swap3A, %swap3A_59], %add3A_58 {strides = array<i32>} : memref<64x512xf32, #tpu.memory_space<vmem>>, vector<64x512xf32>,
      %broadcast_in_dim3A = arith.constant 1.000000e+00 : f32
      %broadcast_in_dim3A_61 = vector.broadcast %broadcast_in_dim3A : f32 to vector<400x1xf32>
      %get3A_62 = arith.constant 0 : index
      %get3A_63 = arith.constant 0 : index
      %get3A_64 = vector.load %arg12[%get3A_62, %get3A_63] : memref<64x1xf32, #tpu.memory_space<vmem>>, vector<64x1xf32>
      %dot_general3A_65 = arith.constant dense<0.000000e+00> : vector<64x1xf32>
      %dot_general3A_66 = tpu.matmul %convert_element_type3A_48, %broadcast_in_dim3A_61, %dot_general3A_65 {dimension_numbers = #tpu.dot_dimension_numbers<[0], [0], [1], [1], [0, 1, 1, 1], [], []>, transpose_lhs_hint = false} : vector<400x64xf32>, vector<400x1xf32>, vector<64x1xf32> -> vector<64x1xf32>
      %add3A_67 = arith.addf %get3A_64, %dot_general3A_66 : vector<64x1xf32>
      %swap3A_68 = arith.constant 0 : index
      %swap3A_69 = arith.constant 0 : index
      %swap3A_70 = vector.load %arg12[%swap3A_68, %swap3A_69] : memref<64x1xf32, #tpu.memory_space<vmem>>, vector<64x1xf32>
      tpu.vector_store %arg12[%swap3A_68, %swap3A_69], %add3A_67 {strides = array<i32>} : memref<64x1xf32, #tpu.memory_space<vmem>>, vector<64x1xf32>,
      %reduce_min3A = vector.shape_cast %get3A_44 : vector<400x1xi32> to vector<1x400x1xi32>
      %reduce_min3A_71 = arith.constant dense<2147483647> : vector<1xi32>
      %reduce_min3A_72 = vector.multi_reduction <minsi>, %reduce_min3A, %reduce_min3A_71 [1, 2] : vector<1x400x1xi32> to vector<1xi32>
      %reduce_min3A_73 = vector.shape_cast %reduce_min3A_72 : vector<1xi32> to vector<1x1x1xi32>
      %reduce_min3A_74 = vector.extract %reduce_min3A_73[0, 0, 0] : i32 from vector<1x1x1xi32>
      %reduce_max3A = vector.shape_cast %get3A_44 : vector<400x1xi32> to vector<1x400x1xi32>
      %reduce_max3A_75 = arith.constant dense<-2147483648> : vector<1xi32>
      %reduce_max3A_76 = vector.multi_reduction <maxsi>, %reduce_max3A, %reduce_max3A_75 [1, 2] : vector<1x400x1xi32> to vector<1xi32>
      %reduce_max3A_77 = vector.shape_cast %reduce_max3A_76 : vector<1xi32> to vector<1x1x1xi32>
      %reduce_max3A_78 = vector.extract %reduce_max3A_77[0, 0, 0] : i32 from vector<1x1x1xi32>
      %iota3A_79 = tpu.iota {dimensions = array<i32: 0>} : vector<64x1xi32>
      %get3A_80 = arith.constant 0 : index
      %get3A_81 = arith.constant 0 : index
      %get3A_82 = vector.load %arg10[%get3A_80, %get3A_81] : memref<64x512xf32, #tpu.memory_space<vmem>>, vector<64x512xf32>
      %add3A_83 = arith.constant 1 : i32
      %add3A_84 = arith.addi %reduce_max3A_78, %add3A_83 : i32
      %while3A = arith.subi %add3A_84, %reduce_min3A_74 : i32
      %while3A_85 = arith.addi %reduce_min3A_74, %while3A : i32
      %while3A_86 = arith.constant 1 : i32
      %while3A_87 = arith.divsi %while3A, %while3A_86 : i32
      %while3A_88 = arith.muli %while3A_87, %while3A_86 : i32
      %while3A_89 = arith.addi %reduce_min3A_74, %while3A_88 : i32
      %while3A_90 = arith.constant 1 : i32
      %while3A_91 = scf.for %while3A_97 = %reduce_min3A_74 to %while3A_89 step %while3A_90 iter_args(%while3A_98 = %get3A_82) -> (vector<64x512xf32>)  : i32 {
        %eq3A_99 = vector.broadcast %while3A_97 : i32 to vector<400x1xi32>
        %eq3A_100 = arith.cmpi eq, %get3A_44, %eq3A_99 : vector<400x1xi32>
        %jit3A = arith.constant -1.000000e+30 : f32
        %broadcast_in_dim3A_101 = vector.shape_cast %eq3A_100 : vector<400x1xi1> to vector<400x1xi1>
        %broadcast_in_dim3A_102 = vector.broadcast %broadcast_in_dim3A_101 : vector<400x1xi1> to vector<400x512xi1>
        %broadcast_in_dim3A_103 = vector.broadcast %jit3A : f32 to vector<400x512xf32>
        %select_n3A = arith.select %broadcast_in_dim3A_102, %max3A_41, %broadcast_in_dim3A_103 : vector<400x512xi1>, vector<400x512xf32>
        %reduce_max3A_104 = arith.constant dense<0xFF800000> : vector<512xf32>
        %reduce_max3A_105 = vector.multi_reduction <maximumf>, %select_n3A, %reduce_max3A_104 [0] : vector<400x512xf32> to vector<512xf32>
        %broadcast_in_dim3A_106 = vector.shape_cast %reduce_max3A_105 : vector<512xf32> to vector<1x512xf32>
        %eq3A_107 = vector.broadcast %while3A_97 : i32 to vector<64x1xi32>
        %eq3A_108 = arith.cmpi eq, %iota3A_79, %eq3A_107 : vector<64x1xi32>
        %max3A_109 = vector.broadcast %broadcast_in_dim3A_106 : vector<1x512xf32> to vector<64x512xf32>
        %max3A_110 = arith.maximumf %while3A_98, %max3A_109 : vector<64x512xf32>
        %broadcast_in_dim3A_111 = vector.shape_cast %eq3A_108 : vector<64x1xi1> to vector<64x1xi1>
        %broadcast_in_dim3A_112 = vector.broadcast %broadcast_in_dim3A_111 : vector<64x1xi1> to vector<64x512xi1>
        %select_n3A_113 = arith.select %broadcast_in_dim3A_112, %max3A_110, %while3A_98 : vector<64x512xi1>, vector<64x512xf32>
        scf.yield %select_n3A_113 : vector<64x512xf32>
      }
      %while3A_92 = arith.constant 1 : i32
      %while3A_93 = scf.for %while3A_97 = %while3A_89 to %while3A_85 step %while3A_92 iter_args(%while3A_98 = %while3A_91) -> (vector<64x512xf32>)  : i32 {
        %eq3A_99 = vector.broadcast %while3A_97 : i32 to vector<400x1xi32>
        %eq3A_100 = arith.cmpi eq, %get3A_44, %eq3A_99 : vector<400x1xi32>
        %jit3A = arith.constant -1.000000e+30 : f32
        %broadcast_in_dim3A_101 = vector.shape_cast %eq3A_100 : vector<400x1xi1> to vector<400x1xi1>
        %broadcast_in_dim3A_102 = vector.broadcast %broadcast_in_dim3A_101 : vector<400x1xi1> to vector<400x512xi1>
        %broadcast_in_dim3A_103 = vector.broadcast %jit3A : f32 to vector<400x512xf32>
        %select_n3A = arith.select %broadcast_in_dim3A_102, %max3A_41, %broadcast_in_dim3A_103 : vector<400x512xi1>, vector<400x512xf32>
        %reduce_max3A_104 = arith.constant dense<0xFF800000> : vector<512xf32>
        %reduce_max3A_105 = vector.multi_reduction <maximumf>, %select_n3A, %reduce_max3A_104 [0] : vector<400x512xf32> to vector<512xf32>
        %broadcast_in_dim3A_106 = vector.shape_cast %reduce_max3A_105 : vector<512xf32> to vector<1x512xf32>
        %eq3A_107 = vector.broadcast %while3A_97 : i32 to vector<64x1xi32>
        %eq3A_108 = arith.cmpi eq, %iota3A_79, %eq3A_107 : vector<64x1xi32>
        %max3A_109 = vector.broadcast %broadcast_in_dim3A_106 : vector<1x512xf32> to vector<64x512xf32>
        %max3A_110 = arith.maximumf %while3A_98, %max3A_109 : vector<64x512xf32>
        %broadcast_in_dim3A_111 = vector.shape_cast %eq3A_108 : vector<64x1xi1> to vector<64x1xi1>
        %broadcast_in_dim3A_112 = vector.broadcast %broadcast_in_dim3A_111 : vector<64x1xi1> to vector<64x512xi1>
        %select_n3A_113 = arith.select %broadcast_in_dim3A_112, %max3A_110, %while3A_98 : vector<64x512xi1>, vector<64x512xf32>
        scf.yield %select_n3A_113 : vector<64x512xf32>
      }
      %swap3A_94 = arith.constant 0 : index
      %swap3A_95 = arith.constant 0 : index
      %swap3A_96 = vector.load %arg10[%swap3A_94, %swap3A_95] : memref<64x512xf32, #tpu.memory_space<vmem>>, vector<64x512xf32>
      tpu.vector_store %arg10[%swap3A_94, %swap3A_95], %while3A_93 {strides = array<i32>} : memref<64x512xf32, #tpu.memory_space<vmem>>, vector<64x512xf32>,
    } else {
    }
    return
  }
  func.func @transform_0(%arg0: i32) -> (i32, i32) {
    %lt3A = arith.constant 25 : i32
    %lt3A_0 = arith.cmpi slt, %arg0, %lt3A : i32
    %sub3A = arith.constant 25 : i32
    %sub3A_1 = arith.subi %arg0, %sub3A : i32
    %select_n3A = arith.select %lt3A_0, %arg0, %sub3A_1 : i32
    %c0_i32 = arith.constant 0 : i32
    %c0_i32_2 = arith.constant 0 : i32
    return %select_n3A, %c0_i32 : i32, i32
  }
  func.func @transform_1(%arg0: i32) -> (i32, i32) {
    %lt3A = arith.constant 25 : i32
    %lt3A_0 = arith.cmpi slt, %arg0, %lt3A : i32
    %sub3A = arith.constant 25 : i32
    %sub3A_1 = arith.subi %arg0, %sub3A : i32
    %select_n3A = arith.select %lt3A_0, %arg0, %sub3A_1 : i32
    %c0_i32 = arith.constant 0 : i32
    %c0_i32_2 = arith.constant 0 : i32
    return %select_n3A, %c0_i32 : i32, i32
  }
  func.func @transform_2(%arg0: i32) -> (i32, i32) {
    %lt3A = arith.constant 25 : i32
    %lt3A_0 = arith.cmpi slt, %arg0, %lt3A : i32
    %sub3A = arith.constant 25 : i32
    %sub3A_1 = arith.subi %arg0, %sub3A : i32
    %select_n3A = arith.select %lt3A_0, %arg0, %sub3A_1 : i32
    %c0_i32 = arith.constant 0 : i32
    %c0_i32_2 = arith.constant 0 : i32
    return %select_n3A, %c0_i32 : i32, i32
  }
  func.func @transform_3(%arg0: i32) -> (i32, i32) {
    %c0_i32 = arith.constant 0 : i32
    %c0_i32_0 = arith.constant 0 : i32
    %c0_i32_1 = arith.constant 0 : i32
    return %c0_i32, %c0_i32_0 : i32, i32
  }
  func.func @transform_4(%arg0: i32) -> (i32, i32) {
    %c0_i32 = arith.constant 0 : i32
    %c0_i32_0 = arith.constant 0 : i32
    %c0_i32_1 = arith.constant 0 : i32
    return %c0_i32, %c0_i32_0 : i32, i32
  }
  func.func @transform_5(%arg0: i32) -> (i32, i32) {
    %c0_i32 = arith.constant 0 : i32
    %c0_i32_0 = arith.constant 0 : i32
    %c0_i32_1 = arith.constant 0 : i32
    return %c0_i32, %c0_i32_0 : i32, i32
  }
  func.func @transform_6(%arg0: i32) -> (i32, i32) {
    %lt3A = arith.constant 25 : i32
    %lt3A_0 = arith.cmpi slt, %arg0, %lt3A : i32
    %sub3A = arith.constant 25 : i32
    %sub3A_1 = arith.subi %arg0, %sub3A : i32
    %select_n3A = arith.select %lt3A_0, %arg0, %sub3A_1 : i32
    %c0_i32 = arith.constant 0 : i32
    %c0_i32_2 = arith.constant 0 : i32
    return %select_n3A, %c0_i32 : i32, i32
  }
  func.func @transform_7(%arg0: i32) -> (i32, i32) {
    %c0_i32 = arith.constant 0 : i32
    %c0_i32_0 = arith.constant 0 : i32
    %c0_i32_1 = arith.constant 0 : i32
    return %c0_i32, %c0_i32_0 : i32, i32
  }
  func.func @transform_8(%arg0: i32) -> (i32, i32) {
    %c0_i32 = arith.constant 0 : i32
    %c0_i32_0 = arith.constant 0 : i32
    %c0_i32_1 = arith.constant 0 : i32
    return %c0_i32, %c0_i32_0 : i32, i32
  }
  func.func @transform_9(%arg0: i32) -> (i32, i32) {
    %c0_i32 = arith.constant 0 : i32
    %c0_i32_0 = arith.constant 0 : i32
    %c0_i32_1 = arith.constant 0 : i32
    return %c0_i32, %c0_i32_0 : i32, i32
  }
  func.func @transform_10(%arg0: i32) -> (i32, i32) {
    %c0_i32 = arith.constant 0 : i32
    %c0_i32_0 = arith.constant 0 : i32
    %c0_i32_1 = arith.constant 0 : i32
    return %c0_i32, %c0_i32_0 : i32, i32
  }
  func.func @transform_11(%arg0: i32) -> (i32, i32) {
    %c0_i32 = arith.constant 0 : i32
    %c0_i32_0 = arith.constant 0 : i32
    %c0_i32_1 = arith.constant 0 : i32
    return %c0_i32, %c0_i32_0 : i32, i32
  }
}

module attributes {stable_mosaic.version = 14 : i64} {
  func.func @_tc_c_body(%arg0: memref<64x512xf32, #tpu.memory_space<vmem>>, %arg1: memref<64x512xf32, #tpu.memory_space<vmem>>, %arg2: memref<64x1xf32, #tpu.memory_space<vmem>>, %arg3: memref<512x512xf32, #tpu.memory_space<vmem>>, %arg4: memref<512x512xf32, #tpu.memory_space<vmem>>, %arg5: memref<1x512xf32, #tpu.memory_space<vmem>>, %arg6: memref<1x512xf32, #tpu.memory_space<vmem>>, %arg7: memref<1x512xf32, #tpu.memory_space<vmem>>, %arg8: memref<512x40xf32, #tpu.memory_space<vmem>>, %arg9: memref<1x40xf32, #tpu.memory_space<vmem>>, %arg10: memref<64x40xf32, #tpu.memory_space<vmem>>) attributes {dimension_semantics = [], scalar_prefetch = 0 : i64, scratch_operands = 0 : i64, tpu.core_type = #tpu.core_type<tc>} {
    %get3A = arith.constant 0 : index
    %get3A_0 = arith.constant 0 : index
    %get3A_1 = vector.load %arg0[%get3A, %get3A_0] : memref<64x512xf32, #tpu.memory_space<vmem>>, vector<64x512xf32>
    %gt3A = arith.constant -1.000000e+29 : f32
    %gt3A_2 = vector.broadcast %gt3A : f32 to vector<64x512xf32>
    %gt3A_3 = arith.cmpf ogt, %get3A_1, %gt3A_2 : vector<64x512xf32>
    %jit3A = arith.constant 0.000000e+00 : f32
    %broadcast_in_dim3A = vector.broadcast %jit3A : f32 to vector<64x512xf32>
    %select_n3A = arith.select %gt3A_3, %get3A_1, %broadcast_in_dim3A : vector<64x512xi1>, vector<64x512xf32>
    %get3A_4 = arith.constant 0 : index
    %get3A_5 = arith.constant 0 : index
    %get3A_6 = vector.load %arg1[%get3A_4, %get3A_5] : memref<64x512xf32, #tpu.memory_space<vmem>>, vector<64x512xf32>
    %get3A_7 = arith.constant 0 : index
    %get3A_8 = arith.constant 0 : index
    %get3A_9 = vector.load %arg2[%get3A_7, %get3A_8] : memref<64x1xf32, #tpu.memory_space<vmem>>, vector<64x1xf32>
    %max3A = arith.constant 1.000000e+00 : f32
    %max3A_10 = vector.broadcast %max3A : f32 to vector<64x1xf32>
    %max3A_11 = arith.maximumf %get3A_9, %max3A_10 : vector<64x1xf32>
    %div3A = vector.broadcast %max3A_11 : vector<64x1xf32> to vector<64x512xf32>
    %div3A_12 = arith.divf %get3A_6, %div3A : vector<64x512xf32>
    %get3A_13 = arith.constant 0 : index
    %get3A_14 = arith.constant 0 : index
    %get3A_15 = vector.load %arg3[%get3A_13, %get3A_14] : memref<512x512xf32, #tpu.memory_space<vmem>>, vector<512x512xf32>
    %dot_general3A = arith.constant dense<0.000000e+00> : vector<64x512xf32>
    %dot_general3A_16 = tpu.matmul %select_n3A, %get3A_15, %dot_general3A {dimension_numbers = #tpu.dot_dimension_numbers<[1], [0], [0], [1], [0, 0, 1, 1], [], []>, transpose_lhs_hint = false} : vector<64x512xf32>, vector<512x512xf32>, vector<64x512xf32> -> vector<64x512xf32>
    %get3A_17 = arith.constant 0 : index
    %get3A_18 = arith.constant 0 : index
    %get3A_19 = vector.load %arg4[%get3A_17, %get3A_18] : memref<512x512xf32, #tpu.memory_space<vmem>>, vector<512x512xf32>
    %dot_general3A_20 = arith.constant dense<0.000000e+00> : vector<64x512xf32>
    %dot_general3A_21 = tpu.matmul %div3A_12, %get3A_19, %dot_general3A_20 {dimension_numbers = #tpu.dot_dimension_numbers<[1], [0], [0], [1], [0, 0, 1, 1], [], []>, transpose_lhs_hint = false} : vector<64x512xf32>, vector<512x512xf32>, vector<64x512xf32> -> vector<64x512xf32>
    %add3A = arith.addf %dot_general3A_16, %dot_general3A_21 : vector<64x512xf32>
    %get3A_22 = arith.constant 0 : index
    %get3A_23 = arith.constant 0 : index
    %get3A_24 = vector.load %arg5[%get3A_22, %get3A_23] : memref<1x512xf32, #tpu.memory_space<vmem>>, vector<1x512xf32>
    %add3A_25 = vector.broadcast %get3A_24 : vector<1x512xf32> to vector<64x512xf32>
    %add3A_26 = arith.addf %add3A, %add3A_25 : vector<64x512xf32>
    %reduce_sum3A = arith.constant dense<0.000000e+00> : vector<512xf32>
    %reduce_sum3A_27 = vector.multi_reduction <add>, %add3A_26, %reduce_sum3A [0] : vector<64x512xf32> to vector<512xf32>
    %broadcast_in_dim3A_28 = vector.shape_cast %reduce_sum3A_27 : vector<512xf32> to vector<1x512xf32>
    %div3A_29 = arith.constant 6.400000e+01 : f32
    %div3A_30 = vector.broadcast %div3A_29 : f32 to vector<1x512xf32>
    %div3A_31 = arith.divf %broadcast_in_dim3A_28, %div3A_30 : vector<1x512xf32>
    %mul3A = arith.mulf %add3A_26, %add3A_26 : vector<64x512xf32>
    %reduce_sum3A_32 = arith.constant dense<0.000000e+00> : vector<512xf32>
    %reduce_sum3A_33 = vector.multi_reduction <add>, %mul3A, %reduce_sum3A_32 [0] : vector<64x512xf32> to vector<512xf32>
    %broadcast_in_dim3A_34 = vector.shape_cast %reduce_sum3A_33 : vector<512xf32> to vector<1x512xf32>
    %div3A_35 = arith.constant 6.400000e+01 : f32
    %div3A_36 = vector.broadcast %div3A_35 : f32 to vector<1x512xf32>
    %div3A_37 = arith.divf %broadcast_in_dim3A_34, %div3A_36 : vector<1x512xf32>
    %mul3A_38 = arith.mulf %div3A_31, %div3A_31 : vector<1x512xf32>
    %sub3A = arith.subf %div3A_37, %mul3A_38 : vector<1x512xf32>
    %sub3A_39 = vector.broadcast %div3A_31 : vector<1x512xf32> to vector<64x512xf32>
    %sub3A_40 = arith.subf %add3A_26, %sub3A_39 : vector<64x512xf32>
    %add3A_41 = arith.constant 9.99999974E-6 : f32
    %add3A_42 = vector.broadcast %add3A_41 : f32 to vector<1x512xf32>
    %add3A_43 = arith.addf %sub3A, %add3A_42 : vector<1x512xf32>
    %rsqrt3A = math.rsqrt %add3A_43 : vector<1x512xf32>
    %mul3A_44 = vector.broadcast %rsqrt3A : vector<1x512xf32> to vector<64x512xf32>
    %mul3A_45 = arith.mulf %sub3A_40, %mul3A_44 : vector<64x512xf32>
    %get3A_46 = arith.constant 0 : index
    %get3A_47 = arith.constant 0 : index
    %get3A_48 = vector.load %arg6[%get3A_46, %get3A_47] : memref<1x512xf32, #tpu.memory_space<vmem>>, vector<1x512xf32>
    %mul3A_49 = vector.broadcast %get3A_48 : vector<1x512xf32> to vector<64x512xf32>
    %mul3A_50 = arith.mulf %mul3A_45, %mul3A_49 : vector<64x512xf32>
    %get3A_51 = arith.constant 0 : index
    %get3A_52 = arith.constant 0 : index
    %get3A_53 = vector.load %arg7[%get3A_51, %get3A_52] : memref<1x512xf32, #tpu.memory_space<vmem>>, vector<1x512xf32>
    %add3A_54 = vector.broadcast %get3A_53 : vector<1x512xf32> to vector<64x512xf32>
    %add3A_55 = arith.addf %mul3A_50, %add3A_54 : vector<64x512xf32>
    %max3A_56 = arith.constant 0.000000e+00 : f32
    %max3A_57 = vector.broadcast %max3A_56 : f32 to vector<64x512xf32>
    %max3A_58 = arith.maximumf %add3A_55, %max3A_57 : vector<64x512xf32>
    %get3A_59 = arith.constant 0 : index
    %get3A_60 = arith.constant 0 : index
    %get3A_61 = vector.load %arg8[%get3A_59, %get3A_60] : memref<512x40xf32, #tpu.memory_space<vmem>>, vector<512x40xf32>
    %dot_general3A_62 = arith.constant dense<0.000000e+00> : vector<64x40xf32>
    %dot_general3A_63 = tpu.matmul %max3A_58, %get3A_61, %dot_general3A_62 {dimension_numbers = #tpu.dot_dimension_numbers<[1], [0], [0], [1], [0, 0, 1, 1], [], []>, transpose_lhs_hint = false} : vector<64x512xf32>, vector<512x40xf32>, vector<64x40xf32> -> vector<64x40xf32>
    %get3A_64 = arith.constant 0 : index
    %get3A_65 = arith.constant 0 : index
    %get3A_66 = vector.load %arg9[%get3A_64, %get3A_65] : memref<1x40xf32, #tpu.memory_space<vmem>>, vector<1x40xf32>
    %add3A_67 = vector.broadcast %get3A_66 : vector<1x40xf32> to vector<64x40xf32>
    %add3A_68 = arith.addf %dot_general3A_63, %add3A_67 : vector<64x40xf32>
    %swap3A = arith.constant 0 : index
    %swap3A_69 = arith.constant 0 : index
    %swap3A_70 = vector.load %arg10[%swap3A, %swap3A_69] : memref<64x40xf32, #tpu.memory_space<vmem>>, vector<64x40xf32>
    tpu.vector_store %arg10[%swap3A, %swap3A_69], %add3A_68 {strides = array<i32>} : memref<64x40xf32, #tpu.memory_space<vmem>>, vector<64x40xf32>,
    return
  }
}

</mosaic_0001>

<sc_bundles>
// kernel: kernel.5.cloned.1.call-start
scs
__scs_entry_jumppad:
0x0: {  	(pc) =	sbr.rel $0x88, $3  }
0x1: {  	(tag) =	ssettag $0x0;
	lr =	simm.s32 $0x1  }
0x2: {  	[smem:$0x3F93] =	sst lr;
	_ =	strace $0xD0000000  }
0x3: {  	_ = 	snop  }
0x4: {  	_ = 	snop  }
0x5: {  	_ = 	snop  }
0x6: {  	_ = 	snop  }
0x7: {  	_ = 	snop  }
__scs_overlays_trampoline_lowered:
0x8: {  	[smem:$0x3FA2] =	sst s0  }
0x9: {  	[smem:$0x3FA3] =	sst s1  }
0xa: {  	[smem:$0x3FA4] =	sst s2  }
0xb: {  	[smem:$0x3FA5] =	sst s3  }
0xc: {  	[smem:$0x3FA6] =	sst s4  }
0xd: {  	[smem:$0x3FA7] =	sst s5  }
0xe: {  	[smem:$0x3FA8] =	sst s6  }
0xf: {  	[smem:$0x3FA9] =	sst s7  }
0x10: {  	[smem:$0x3FAA] =	sst s8  }
0x11: {  	[smem:$0x3FAB] =	sst s9;
	s0 =	simm.s32 @!p0 $0x0  }
0x12: {  	s1 =	sld [smem:$0x3F91];
	s0 =	simm.s32 @p0 $0x1  }
0x13: {  	[smem:$0x3FAC] =	sst s0;
	s0 =	simm.s32 @!p1 $0x0  }
0x14: {  	s2 =	sld [smem:$0x3F90];
	s0 =	simm.s32 @p1 $0x1  }
0x15: {  	[smem:$0x3FAD] =	sst s0;
	s0 =	simm.s32 @!p2 $0x0  }
0x16: {  	s3 =	sld [smem:$0x3FDB];
	s0 =	simm.s32 @p2 $0x1  }
0x17: {  	s4 =	simm.s32 $0x1BF5;
	[smem:$0x3FAF] =	sst s0  }
0x18: {  	s0 =	sld [smem:$0x3F92];
	_ =	swait.ge [sflag:s4], $0x0  }
0x19: {  	s7 =	sld [smem:$0x3F93]  }
0x1a: {  	s8 =	sadd.s32 $0xFFFFE003, lr  }
0x1b: {  	s9 =	sadd.s32 $0xFFFFFEF7, lr;
	s5 =	simm.s32 $0xFFFFFFFF;
	p2 =	slt.u32 s8, $0xFFFFF086  }
0x1c: {  	p1 =	slt.u32 s9, $0xF7A;
	s5 =	simm.s32 @!p2 $0x0  }
0x1d: {  	s5 =	simm.s32 @p1 $0x1;
	p0 =	seq.s32 s7, s2  }
0x1e: {  	s7 =	smul.u32 @!p0 $0xF7A, s2;
	p2 =	seq.s32 @!p0 s5, $0x0  }
0x1f: {  	s9 =	smul.u32 $0xF7A, s1;
	s8 =	simm.s32 @!p0 $0x1BF5;
	p2 =	por !p2, p0  }
0x20: {  	[sflag:s8] =	ssyncset.s32 @!p0 $0xFFFFF086;
	s6 =	sadd.s32 @!p0 s3, s7;
	s7 =	simm.s32 @!p0 $0x108  }
0x21: {  	s3 =	sadd.s32 s3, s9;
	s6 =	sadd.s32 @!p0 $0x88, s6;
	s7 =	simm.s32 @p2 $0x1082  }
0x22: {  	[simem:s7], [sflag:s8] =	dma.local @!p0 [hbm:s6], $0xF7A  }
0x23: {  	s9 =	sor.u32 $0xD0000000, s2;
	s6 =	simm.s32 $0x108;
	_ =	swait.ge @!p0 [sflag:s8], $0x0  }
0x24: {  	s3 =	sadd.s32 $0x88, s3;
	s6 =	simm.s32 @!p1 $0x1082;
	[sflag:s4] =	ssyncset.s32 $0xFFFFF086  }
0x25: {  	[simem:s6], [sflag:s4] =	dma.local [hbm:s3], $0xF7A  }
0x26: {  	[smem:$0x3F93] =	sst s1;
	(tag) =	ssettag s2;
	_ =	strace s9  }
0x27: {  	s1 =	sld [smem:$0x3FA3]  }
0x28: {  	s2 =	sld [smem:$0x3FA4]  }
0x29: {  	s4 =	sld [smem:$0x3FA6]  }
0x2a: {  	p0 =	seq.s32 s5, $0x0;
	s5 =	sld [smem:$0x3FA7]  }
0x2b: {  	s6 =	sld [smem:$0x3FA8]  }
0x2c: {  	s7 =	sld [smem:$0x3FA9]  }
0x2d: {  	s3 =	simm.s32 $0x108;
	s8 =	sld [smem:$0x3FAA]  }
0x2e: {  	s3 =	simm.s32 @!p0 $0x1082;
	s9 =	sld [smem:$0x3FAB]  }
0x2f: {  	lr =	sadd.s32 s0, s3;
	s0 =	sld [smem:$0x3FA2]  }
0x30: {  	s3 =	sld [smem:$0x3FA5]  }
0x31: {  	[smem:$0x3FAE] =	sst s10  }
0x32: {  	s10 =	sld [smem:$0x3FAC];
	_ =	sdelay $0x3  }
0x33: {  	p0 =	seq.s32 s10, $0x1;
	s10 =	sld [smem:$0x3FAE];
	_ =	sdelay $0x3  }
0x34: {  	[smem:$0x3FAE] =	sst s10  }
0x35: {  	s10 =	sld [smem:$0x3FAD];
	_ =	sdelay $0x3  }
0x36: {  	p1 =	seq.s32 s10, $0x1;
	s10 =	sld [smem:$0x3FAE];
	_ =	sdelay $0x3  }
0x37: {  	[smem:$0x3FAE] =	sst s10  }
0x38: {  	s10 =	sld [smem:$0x3FAF]  }
0x39: {  	_ = 	snop;
	(pc) =	sbr.ind lr, $3  }
0x3a: {  	_ = 	snop  }
0x3b: {  	_ = 	snop  }
0x3c: {  	p2 =	seq.s32 s10, $0x1;
	s10 =	sld [smem:$0x3FAE]  }
0x3d: {  	_ =	shalt  }
0x3e: {  	_ =	shalt  }
0x3f: {  	_ =	shalt  }
0x40: {  	_ =	shalt  }
0x41: {  	_ =	shalt  }
0x42: {  	_ =	shalt  }
0x43: {  	_ =	shalt  }
0x44: {  	_ =	shalt  }
0x45: {  	_ =	shalt  }
0x46: {  	_ =	shalt  }
0x47: {  	_ =	shalt  }
0x48: {  	_ =	shalt  }
0x49: {  	_ =	shalt  }
0x4a: {  	_ =	shalt  }
0x4b: {  	_ =	shalt  }
0x4c: {  	_ =	shalt  }
0x4d: {  	_ =	shalt  }
0x4e: {  	_ =	shalt  }
0x4f: {  	_ =	shalt  }
0x50: {  	_ =	shalt  }
0x51: {  	_ =	shalt  }
0x52: {  	_ =	shalt  }
0x53: {  	_ =	shalt  }
0x54: {  	_ =	shalt  }
0x55: {  	_ =	shalt  }
0x56: {  	_ =	shalt  }
0x57: {  	_ =	shalt  }
0x58: {  	_ =	shalt  }
0x59: {  	_ =	shalt  }
0x5a: {  	_ =	shalt  }
0x5b: {  	_ =	shalt  }
0x5c: {  	_ =	shalt  }
0x5d: {  	_ =	shalt  }
0x5e: {  	_ =	shalt  }
0x5f: {  	_ =	shalt  }
0x60: {  	_ =	shalt  }
0x61: {  	_ =	shalt  }
0x62: {  	_ =	shalt  }
0x63: {  	_ =	shalt  }
0x64: {  	_ =	shalt  }
0x65: {  	_ =	shalt  }
0x66: {  	_ =	shalt  }
0x67: {  	_ =	shalt  }
0x68: {  	_ =	shalt  }
0x69: {  	_ =	shalt  }
0x6a: {  	_ =	shalt  }
0x6b: {  	_ =	shalt  }
0x6c: {  	_ =	shalt  }
0x6d: {  	_ =	shalt  }
0x6e: {  	_ =	shalt  }
0x6f: {  	_ =	shalt  }
0x70: {  	_ =	shalt  }
0x71: {  	_ =	shalt  }
0x72: {  	_ =	shalt  }
0x73: {  	_ =	shalt  }
0x74: {  	_ =	shalt  }
0x75: {  	_ =	shalt  }
0x76: {  	_ =	shalt  }
0x77: {  	_ =	shalt  }
0x78: {  	_ =	shalt  }
0x79: {  	_ =	shalt  }
0x7a: {  	_ =	shalt  }
0x7b: {  	_ =	shalt  }
0x7c: {  	_ =	shalt  }
0x7d: {  	_ =	shalt  }
0x7e: {  	_ =	shalt  }
0x7f: {  	_ =	shalt  }
0x80: {  	_ =	shalt  }
0x81: {  	_ =	shalt  }
0x82: {  	_ =	shalt  }
0x83: {  	_ =	shalt  }
0x84: {  	_ =	shalt  }
0x85: {  	_ =	shalt  }
0x86: {  	_ =	shalt  }
0x87: {  	_ =	shalt  }
.Lfunc_end0:
.L_simem_size_0:
called_computation_lowered:
.L_overlay_start_0:
0x88: {  	s2 =	sld [smem:$0x3FD9]  }
0x89: {  	s3 =	sld [smem:$0x3FFE];
	_ =	sdelay $0x1  }
0x8a: {  	s1 =	srdreg.scid  }
0x8b: {  	s0 =	sand.u32 $0x1, s1  }
0x8c: {  	s16 =	sshll.u32 s0, $0xA;
	s2 =	sadd.s32 s3, s2  }
0x8d: {  	s2 =	sadd.s32 s2, s16  }
0x8e: {  	[smem:$0x3FBA] =	sst s2  }
0x8f: {  	_ = 	snop  }
0x90: {  	(tm) =	ssettm $0x1  }
0x91: {  	s17 =	sld [smem:$0x3FFB];
	_ =	sdelay $0x3  }
0x92: {  	_ =	strace s17  }
0x93: {  	s2 =	sld [smem:$0x3FFC];
	_ =	sdelay $0x3  }
0x94: {  	_ =	strace s2  }
0x95: {  	s2 =	sld [smem:$0x3FFD];
	_ =	sdelay $0x3  }
0x96: {  	_ =	strace s2  }
0x97: {  	_ =	strace $0x8FFFFFFF  }
0x98: {  	s18 =	sld [smem:$0x3FDB];
	_ =	sdelay $0x1  }
0x99: {  	s19 =	simm.s32 $_scs_section_size  }
0x9a: {  	s4 =	simm.s32 $_size__tile_overlayer_lowered;
	s5 =	simm.s32 $_tile_overlayer_lowered  }
0x9b: {  	s22 =	simm.s32 $0x1BFF;
	s21 =	sshll.u32 s5, $0x1;
	s2 =	sadd.s32 s19, s18  }
0x9c: {  	s6 =	simm.s32 $0x0;
	s20 =	sshll.u32 s4, $0x1;
	s4 =	sadd.s32 s21, s2  }
0x9d: {  	[timem:s6], [sflag:s22] =	dma.local [hbm:s4], s20  }
0x9e: {  	_ =	swait.ge [sflag:s22], s20  }
0x9f: {  	s3 =	ssub.s32 $0x0, s20;
	[sflag:s22] =	ssyncset.done $0x0  }
0xa0: {  	[sflag:s22] =	ssyncadd.s32 s3;
	_ =	sdelay $0x1  }
0xa1: {  	s23 =	simm.s32 $0x1B8B  }
0xa2: {  	_ =	swait.ge [sflag:s23], $0x1  }
0xa3: {  	[sflag:s23] =	ssyncset.done $0x0  }
0xa4: {  	s25 =	simm.s32 $0x1B8E;
	s24 =	sld [smem:$0x3FFE];
	[sflag:s23] =	ssyncadd.s32 $0xFFFFFFFF  }
0xa5: {  	s26 =	simm.s32 $execute0_lowered;
	[smem:$0x3FD2] =	sst s25  }
0xa6: {  	s4 =	sshll.u32 s26, $0x1;
	_ =	strace $0x80000046;
	[dreg:$0x1] =	wrdreg $0xFFFFFFFF  }
0xa7: {  	s28 =	simm.s32 $_size_execute0_lowered;
	s2 =	sadd.s32 s2, s4;
	[dreg:$0x0] =	wrdreg $0x0  }
0xa8: {  	s4 =	sshll.u32 s28, $0x1;
	[dreg:$0x2] =	wrdreg s2  }
0xa9: {  	[dreg:$0x3] =	wrdreg s4  }
0xaa: {  	[dreg:$0x4] =	wrdreg $0xC0  }
0xab: {  	_ =	task [dreg:s6], $0x5FFFF  }
0xac: {  	[dreg:$0x1] =	wrdreg $0xFFFFFFFF  }
0xad: {  	[dreg:$0x0] =	wrdreg $0x60  }
0xae: {  	[dreg:$0x2] =	wrdreg s24  }
0xaf: {  	[dreg:$0x3] =	wrdreg $0x69000  }
0xb0: {  	[dreg:$0x4] =	wrdreg $0x9  }
0xb1: {  	_ =	task.clear_ibuf [dreg:s6], $0x5FFFF;
	_ =	strace $0x90000046  }
0xb2: {  	s29 =	simm.s32 $0x9;
	_ =	strace $0x80000048  }
0xb3: {  	_ =	swait.ge [sflag:s29], $0x1  }
0xb4: {  	[sflag:s29] =	ssyncadd.s32 $0xFFFFFFFF  }
0xb5: {  	_ =	strace $0x90000048  }
0xb6: {  	_ =	sfence  }
0xb7: {  	s30 =	sld [smem:$0x0];
	_ =	sdelay $0x2  }
0xb8: {  	s31 =	sshll.u32 s1, $0xD;
	s1 =	sshrl.u32 s1, $0x2  }
0xb9: {  	s3 =	sand.u32 $0x4000, s31;
	s1 =	sadd.s32 s1, s30  }
0xba: {  	s0 =	sor.u32 s3, s0;
	s1 =	sshll.u32 s1, $0x11  }
0xbb: {  	s0 =	sor.u32 s1, s0  }
0xbc: {  	s0 =	sadd.s32 $0x8F2B, s0  }
0xbd: {  	[sflag:s0] =	ssyncadd.remote.s32 $0x1  }
0xbe: {  	_ =	sfence.sel $0xFFFF  }
0xbf: {  	[dreg:$0x0] =	wrdreg $0xFFFFFFFF;
	(pc) =	sbr.abs _section_cstart, $3  }
0xc0: {  	[dreg:$0x1] =	wrdreg $0xFFFFFFFF  }
0xc1: {  	_ =	task.clear_ibuf [dreg:s6], $0x2FFFF;
	_ =	strace $0x9FFFFFFF  }
0xc2: {  	(tm) =	ssettm $0x7FFFFFFF  }
0xc3: {  	_ =	shalt  }
tec
execute0_lowered:
.L_overlay_start_1:
0x0: {  	(tag) =	ssettag $0x1  }
0x1: {  	s0 =	rddreg [dreg:$0x0]  }
0x2: {  	s1 =	rddreg [dreg:$0x1]  }
0x3: {  	s3 =	simm.s32 $0x0;
	s2 =	srdreg.scid;
	s24 =	stileid.u32  }
0x4: {  	s30 =	simm.s32 $0x1;
	s31 =	simm.s32 $0x0;
	s6 =	smul.u32 $0x9D0, s24  }
0x5: {  	[smem:$0x7FF] =	sst s3;
	s2 =	sand.u32 $0x1, s2;
	s9 =	smul.u32 $0x50000, s24  }
0x6: {  	s4 =	sadd.s32 $0x1F800, s0;
	s23 =	sshll.u32 s24, $0x3;
	s17 =	smul.u32 $0x2800, s24  }
0x7: {  	s26 =	sadd.s32 $0x6DC00, s0;
	s22 =	smul.u32 $0x13A0, s24;
	s24 =	sshllo.u32 s24, $0x3  }
0x8: {  	s5 =	sshll.u32 s2, $0x4;
	s8 =	smul.u32 $0x28000, s2;
	s10 =	sor.u32 $0x1, s23  }
0x9: {  	s11 =	sor.u32 $0x2, s23;
	s7 =	sadd.s32 s5, s0;
	s5 =	smul.u32 $0xA000, s10  }
0xa: {  	_ =	strace $0x80000047;
	s13 =	sor.u32 $0x3, s23;
	s12 =	smul.u32 $0xA000, s11  }
0xb: {  	[dreg:$0x3] =	wrdreg s26;
	s18 =	sor.u32 $0x4, s23;
	s15 =	smul.u32 $0xA000, s13  }
0xc: {  	s2 =	ssub.s32 $0x2, s2;
	s21 =	sor.u32 $0x6, s23;
	s19 =	smul.u32 $0xA000, s18  }
0xd: {  	s20 =	sor.u32 $0x5, s23;
	s16 =	sadd.s32 s6, s0;
	s23 =	smul.u32 $0xA000, s21  }
0xe: {  	s14 =	sshrl.u32 s2, $0x1;
	s9 =	sshrl.u32 s9, $0x2;
	s28 =	smul.u32 $0x500, s13  }
0xf: {  	s29 =	smul.u32 $0x500, s18;
	s0 =	sadd.s32 s8, s0;
	s14 =	ssub.s32 s2, s14  }
0x10: {  	s25 =	sadd.s32 $0x2000, s7;
	s7 =	smul.u32 $0xA000, s20;
	s6 =	sadd.s32 s9, s1  }
0x11: {  	s16 =	sadd.s32 $0x15A00, s16;
	s0 =	sadd.s32 $0x6E200, s0;
	s26 =	sshrl.u32 s5, $0x2  }
0x12: {  	s2 =	sadd.s32 s25, s22;
	s5 =	smul.u32 $0xA000, s24;
	s8 =	smax.u32 s14, $0x1  }
0x13: {  	s25 =	smul.u32 $0x500, s10;
	s14 =	sshrl.u32 s12, $0x2;
	s15 =	sshrl.u32 s15, $0x2  }
0x14: {  	s19 =	sshrl.u32 s19, $0x2;
	s24 =	smul.u32 $0x500, s24;
	s9 =	sadd.s32 s26, s1  }
0x15: {  	s26 =	smul.u32 $0x500, s11;
	s10 =	sadd.s32 s14, s1;
	s11 =	sadd.s32 s15, s1  }
0x16: {  	s7 =	sshrl.u32 s7, $0x2;
	s12 =	sadd.s32 s19, s1;
	s17 =	sadd.s32 s17, s0  }
0x17: {  	s13 =	sadd.s32 s7, s1;
	s7 =	smul.u32 $0x500, s20;
	s20 =	sshrl.u32 s23, $0x2  }
0x18: {  	s23 =	sshrl.u32 s5, $0x2;
	s5 =	smul.u32 $0x500, s21;
	s18 =	sadd.s32 s25, s0  }
0x19: {  	s21 =	sadd.s32 s29, s0;
	s24 =	sadd.s32 s24, s0;
	s25 =	simm.s32 $0x4100  }
0x1a: {  	s29 =	simm.s32 $0x100;
	s14 =	sadd.s32 s20, s1;
	s15 =	sadd.s32 s23, s1  }
0x1b: {  	s19 =	sadd.s32 s26, s0;
	s20 =	sadd.s32 s28, s0;
	s26 =	simm.s32 $0x2  }
0x1c: {  	s28 =	simm.s32 $0x80;
	s22 =	sadd.s32 s7, s0;
	s23 =	sadd.s32 s5, s0  }
.LBB2_1:
0x1d: {  	s0 =	rddreg [dreg:$0x3]  }
0x1e: {  	[tilespmem:s25], [sflag:$0x2] =	stream.linear.gather [hbm4b:s0+s3], $0x2800, $0x38;
	[tilespmem:$0x1A900] =	vst v63  }
0x1f: {  	_ =	swait.ge [sflag:s26], $0x2800  }
0x20: {  	[sflag:s26] =	ssyncset.done $0x0  }
0x21: {  	[sflag:s26] =	ssyncadd.s32 $0xFFFFD800  }
0x22: {  	[spmem:s6] =	stream.linear.scatter [tilespmem:s25], [sflag:$0x2], $0x2800, $0x38;
	[tilespmem:$0x1A900] =	vst v63  }
0x23: {  	_ =	swait.ge [sflag:s26], $0x2800  }
0x24: {  	[sflag:s26] =	ssyncset.done $0x0  }
0x25: {  	[sflag:s26] =	ssyncadd.s32 $0xFFFFD800  }
0x26: {  	[spmem:s9] =	stream.linear.scatter [tilespmem:s25], [sflag:$0x2], $0x2800, $0x38;
	[tilespmem:$0x1A900] =	vst v63  }
0x27: {  	_ =	swait.ge [sflag:s26], $0x2800  }
0x28: {  	[sflag:s26] =	ssyncset.done $0x0  }
0x29: {  	[sflag:s26] =	ssyncadd.s32 $0xFFFFD800  }
0x2a: {  	[spmem:s10] =	stream.linear.scatter [tilespmem:s25], [sflag:$0x2], $0x2800, $0x38;
	[tilespmem:$0x1A900] =	vst v63  }
0x2b: {  	_ =	swait.ge [sflag:s26], $0x2800  }
0x2c: {  	[sflag:s26] =	ssyncset.done $0x0  }
0x2d: {  	[sflag:s26] =	ssyncadd.s32 $0xFFFFD800  }
0x2e: {  	[spmem:s11] =	stream.linear.scatter [tilespmem:s25], [sflag:$0x2], $0x2800, $0x38;
	[tilespmem:$0x1A900] =	vst v63  }
0x2f: {  	_ =	swait.ge [sflag:s26], $0x2800  }
0x30: {  	[sflag:s26] =	ssyncset.done $0x0  }
0x31: {  	[sflag:s26] =	ssyncadd.s32 $0xFFFFD800  }
0x32: {  	[spmem:s12] =	stream.linear.scatter [tilespmem:s25], [sflag:$0x2], $0x2800, $0x38;
	[tilespmem:$0x1A900] =	vst v63  }
0x33: {  	_ =	swait.ge [sflag:s26], $0x2800  }
0x34: {  	[sflag:s26] =	ssyncset.done $0x0  }
0x35: {  	[sflag:s26] =	ssyncadd.s32 $0xFFFFD800  }
0x36: {  	[spmem:s13] =	stream.linear.scatter [tilespmem:s25], [sflag:$0x2], $0x2800, $0x38;
	[tilespmem:$0x1A900] =	vst v63  }
0x37: {  	_ =	swait.ge [sflag:s26], $0x2800  }
0x38: {  	[sflag:s26] =	ssyncset.done $0x0  }
0x39: {  	[sflag:s26] =	ssyncadd.s32 $0xFFFFD800  }
0x3a: {  	[spmem:s14] =	stream.linear.scatter [tilespmem:s25], [sflag:$0x2], $0x2800, $0x38;
	[tilespmem:$0x1A900] =	vst v63  }
0x3b: {  	_ =	swait.ge [sflag:s26], $0x2800  }
0x3c: {  	[sflag:s26] =	ssyncset.done $0x0  }
0x3d: {  	[sflag:s26] =	ssyncadd.s32 $0xFFFFD800  }
0x3e: {  	[spmem:s15] =	stream.linear.scatter [tilespmem:s25], [sflag:$0x2], $0x2800, $0x38;
	[tilespmem:$0x1A900] =	vst v63  }
0x3f: {  	_ =	swait.ge [sflag:s26], $0x2800  }
0x40: {  	[sflag:s26] =	ssyncset.done $0x0  }
0x41: {  	[sflag:s26] =	ssyncadd.s32 $0xFFFFD800  }
0x42: {  	[bflag:$0x0] =	sbarrier.arrive $0xFFFF  }
0x43: {  	[tilespmem:s3], [sflag:$0x2] =	stream.linear.gather [hbm4b:s2+s3], $0x80, $0x38;
	[tilespmem:$0x1A900] =	vst v63  }
0x44: {  	_ =	swait.ge [sflag:s26], $0x80  }
0x45: {  	[sflag:s26] =	ssyncset.done $0x0  }
0x46: {  	s7 =	sadd.s32 $0x0, s16;
	[sflag:s26] =	ssyncadd.s32 $0xFFFFFF80  }
0x47: {  	[tilespmem:s28], [sflag:$0x2] =	stream.linear.gather [hbm4b:s7+s3], $0x80, $0x38;
	[tilespmem:$0x1A900] =	vst v63  }
0x48: {  	_ =	swait.ge [sflag:s26], $0x80  }
0x49: {  	[sflag:s26] =	ssyncset.done $0x0  }
0x4a: {  	[sflag:s26] =	ssyncadd.s32 $0xFFFFFF80  }
0x4b: {  	[tilespmem:s29], [sflag:$0x1] =	stream.indirect.gather [hbm4b:s4+s28], $0x80, s3, s28, $0xb8;
	[tilespmem:$0x1A900] =	vst v63  }
0x4c: {  	_ =	swait.ge [sflag:s30], $0x4000  }
0x4d: {  	[sflag:s30] =	ssyncset.done $0x0  }
0x4e: {  	[sflag:s30] =	ssyncadd.s32 $0xFFFFC000  }
0x4f: {  	[spmem:s1] =	stream.indirect.scatter.add.f32 [tilespmem:s29], [sflag:$0x2], $0x80, s28, s28, $0xb8;
	[tilespmem:$0x1A900] =	vst v63  }
0x50: {  	_ =	swait.ge [sflag:s26], $0x4000  }
0x51: {  	s0 =	simm.s32 $0x10;
	s7 =	smov.u32 s2;
	[sflag:s26] =	ssyncset.done $0x0  }
.LBB2_2:
0x52: {  	p0 =	sne.s32 s0, $0x9C0;
	[sflag:s26] =	ssyncadd.s32 $0xFFFFC000;
	s7 =	sadd.s32 $0x20, s7  }
0x53: {  	[tilespmem:s3], [sflag:$0x2] =	stream.linear.gather [hbm4b:s7+s3], $0x80, $0x38;
	[tilespmem:$0x1A900] =	vst v63  }
0x54: {  	s5 =	smov.u32 s0;
	s0 =	sadd.s32 $0x10, s0;
	_ =	swait.ge [sflag:s26], $0x80  }
0x55: {  	[sflag:s26] =	ssyncset.done $0x0  }
0x56: {  	s5 =	sadd.s32 s5, s16;
	[sflag:s26] =	ssyncadd.s32 $0xFFFFFF80  }
0x57: {  	[tilespmem:s28], [sflag:$0x2] =	stream.linear.gather [hbm4b:s5+s3], $0x80, $0x38;
	[tilespmem:$0x1A900] =	vst v63  }
0x58: {  	_ =	swait.ge [sflag:s26], $0x80  }
0x59: {  	[sflag:s26] =	ssyncset.done $0x0  }
0x5a: {  	[sflag:s26] =	ssyncadd.s32 $0xFFFFFF80  }
0x5b: {  	[tilespmem:s29], [sflag:$0x1] =	stream.indirect.gather [hbm4b:s4+s28], $0x80, s3, s28, $0xb8;
	[tilespmem:$0x1A900] =	vst v63  }
0x5c: {  	_ =	swait.ge [sflag:s30], $0x4000  }
.Ltmp0:
0x5d: {  	[sflag:s30] =	ssyncset.done $0x0;
	(pc) =	sbr.rel @p0 .LBB2_2-.Ltmp0, $4  }
0x5e: {  	[sflag:s30] =	ssyncadd.s32 $0xFFFFC000  }
0x5f: {  	[spmem:s1] =	stream.indirect.scatter.add.f32 [tilespmem:s29], [sflag:$0x2], $0x80, s28, s28, $0xb8;
	[tilespmem:$0x1A900] =	vst v63  }
0x60: {  	_ =	swait.ge [sflag:s26], $0x4000  }
0x61: {  	[sflag:s26] =	ssyncset.done $0x0  }
0x62: {  	s0 =	stileid.u32  }
0x63: {  	[sflag:s26] =	ssyncadd.s32 $0xFFFFC000;
	s0 =	sshll.u32 s0, $0x6  }
0x64: {  	s5 =	sshrl.u32 s6, $0x3;
	[bflag:$0x0] =	sbarrier.arrive $0xFFFF;
	s0 =	sor.u32 $0x1C02, s0  }
0x65: {  	[hbm:s17], [sflag:s0] =	dma.local [spmem:s5], $0x500  }
0x66: {  	_ =	swait.ge [sflag:s26], $0x500  }
0x67: {  	[sflag:s26] =	ssyncset.done $0x0  }
0x68: {  	s7 =	sshrl.u32 s9, $0x3;
	[sflag:s26] =	ssyncadd.s32 $0xFFFFFB00  }
0x69: {  	[hbm:s18], [sflag:s0] =	dma.local [spmem:s7], $0x500  }
0x6a: {  	_ =	swait.ge [sflag:s26], $0x500  }
0x6b: {  	[sflag:s26] =	ssyncset.done $0x0  }
0x6c: {  	s7 =	sshrl.u32 s10, $0x3;
	[sflag:s26] =	ssyncadd.s32 $0xFFFFFB00  }
0x6d: {  	[hbm:s19], [sflag:s0] =	dma.local [spmem:s7], $0x500  }
0x6e: {  	_ =	swait.ge [sflag:s26], $0x500  }
0x6f: {  	[sflag:s26] =	ssyncset.done $0x0  }
0x70: {  	s7 =	sshrl.u32 s11, $0x3;
	[sflag:s26] =	ssyncadd.s32 $0xFFFFFB00  }
0x71: {  	[hbm:s20], [sflag:s0] =	dma.local [spmem:s7], $0x500  }
0x72: {  	_ =	swait.ge [sflag:s26], $0x500  }
0x73: {  	[sflag:s26] =	ssyncset.done $0x0  }
0x74: {  	s7 =	sshrl.u32 s12, $0x3;
	[sflag:s26] =	ssyncadd.s32 $0xFFFFFB00  }
0x75: {  	[hbm:s21], [sflag:s0] =	dma.local [spmem:s7], $0x500  }
0x76: {  	_ =	swait.ge [sflag:s26], $0x500  }
0x77: {  	[sflag:s26] =	ssyncset.done $0x0  }
0x78: {  	s7 =	sshrl.u32 s13, $0x3;
	[sflag:s26] =	ssyncadd.s32 $0xFFFFFB00  }
0x79: {  	[hbm:s22], [sflag:s0] =	dma.local [spmem:s7], $0x500  }
0x7a: {  	_ =	swait.ge [sflag:s26], $0x500  }
0x7b: {  	[sflag:s26] =	ssyncset.done $0x0  }
0x7c: {  	s7 =	sshrl.u32 s14, $0x3;
	[sflag:s26] =	ssyncadd.s32 $0xFFFFFB00  }
0x7d: {  	[hbm:s23], [sflag:s0] =	dma.local [spmem:s7], $0x500  }
0x7e: {  	s31 =	sadd.s32 $0x1, s31;
	_ =	swait.ge [sflag:s26], $0x500  }
0x7f: {  	p0 =	sne.s32 s31, s8;
	[sflag:s26] =	ssyncset.done $0x0  }
.Ltmp1:
0x80: {  	s7 =	sshrl.u32 s15, $0x3;
	[sflag:s26] =	ssyncadd.s32 $0xFFFFFB00;
	(pc) =	sbr.rel @p0 .LBB2_1-.Ltmp1, $4  }
0x81: {  	[hbm:s24], [sflag:s0] =	dma.local [spmem:s7], $0x500  }
0x82: {  	_ =	swait.ge [sflag:s26], $0x500  }
0x83: {  	[sflag:s26] =	ssyncset.done $0x0  }
0x84: {  	[sflag:s26] =	ssyncadd.s32 $0xFFFFFB00  }
0x85: {  	_ =	sfence.sel $0x180000  }
0x86: {  	[bflag:$0x0] =	sbarrier.arrive $0xFFFF  }
0x87: {  	_ =	strace $0x90000047  }
0x88: {  	s0 =	stileid.u32;
	[bflag:$0x2] =	sbarrier.arrive $0xFFFF  }
0x89: {  	p0 =	sne.s32 s0, $0x0;
	s0 =	rddreg [dreg:$0x2]  }
0x8a: {  	s0 =	sadd.s32 @!p0 $0x100000, s0  }
0x8b: {  	[sflag:s0] =	ssyncadd.tile.s32 @!p0 $0x1;
	_ =	shalt  }
.Lfunc_end2:
_tile_overlayer_lowered:
.L_overlay_start_2:
0x8c: {  	(tag) =	ssettag $0x2  }
0x8d: {  	s0 =	rddreg [dreg:$0x0];
	s2 =	stileid.u32  }
0x8e: {  	s1 =	rddreg [dreg:$0x1];
	p0 =	sne.s32 s2, $0x0  }
0x8f: {  	s3 =	rddreg [dreg:$0x2];
	[bflag:$0x3] =	sbarrier.arrive $0xFFFF;
	s2 =	simm.s32 @!p0 $0x1C02  }
0x90: {  	[timem:s3], [sflag:s2] =	dma.local @!p0 [hbm:s0], s1  }
0x91: {  	s0 =	simm.s32 @!p0 $0x2  }
0x92: {  	_ =	swait.ge @!p0 [sflag:s0], s1  }
0x93: {  	s1 =	ssub.s32 @!p0 $0x0, s1;
	[sflag:s0] =	ssyncset.done @!p0 $0x0  }
0x94: {  	[sflag:s0] =	ssyncadd.s32 @!p0 s1  }
0x95: {  	[bflag:$0x3] =	sbarrier.arrive $0xFFFF  }
0x96: {  	_ =	shalt  }

</sc_bundles>
